<compile_context>
chip_gen: v7x
topology: tpu7x:2x2x1
jax: 0.10.2.dev20260603
libtpu: 0.0.44.dev20260713+nightly
codegen_flags: <defaults>
</compile_context>

<pallas_src>
import functools

import jax
import jax.numpy as jnp
from jax import lax
from jax.experimental import pallas as pl
from jax.experimental.pallas import tpu as pltpu
from jax.experimental.pallas import tpu_sc as plsc

C_IN = 96
C_OUT = 96
KH = KW = 3
NTAP = KH * KW
CK = KH * C_IN
WFLAT = KW * C_OUT * CK


def _sc_build_w(nnz, rows_hbm, cols_hbm, vals_hbm, zeros_hbm, w_hbm,
                rows_v, cols_v, vals_v, wbuf):
    core = lax.axis_index("c")
    sub = lax.axis_index("s")

    @pl.when(core * 16 + sub == 0)
    def _():
        pltpu.sync_copy(rows_hbm, rows_v.at[pl.ds(0, nnz)])
        pltpu.sync_copy(cols_hbm, cols_v.at[pl.ds(0, nnz)])
        pltpu.sync_copy(vals_hbm, vals_v.at[pl.ds(0, nnz)])
        pltpu.sync_copy(zeros_hbm, wbuf)

        nfull = nnz // 16
        tail = nnz % 16
        UN = 4

        def flat_idx(r, c):
            cin = (c * 7282) >> 16
            t = c - cin * NTAP
            kh = (t * 11) >> 5
            kw = t - kh * KW
            return (kw * C_OUT + r) * CK + kh * C_IN + cin

        def scat16(b):
            r = rows_v[pl.ds(b, 16)]
            c = cols_v[pl.ds(b, 16)]
            v = vals_v[pl.ds(b, 16)]
            plsc.store_scatter(wbuf, [flat_idx(r, c)], v)

        def scat_body(i, carry):
            for k in range(UN):
                scat16(i * (16 * UN) + k * 16)
            return carry

        lax.fori_loop(0, nfull // UN, scat_body, 0)
        for j in range((nfull // UN) * UN, nfull):
            scat16(j * 16)

        if tail:
            b = nfull * 16
            r = rows_v[pl.ds(b, 16)]
            c = cols_v[pl.ds(b, 16)]
            v = vals_v[pl.ds(b, 16)]
            m = lax.iota(jnp.int32, 16) < tail
            plsc.store_scatter(wbuf, [flat_idx(r, c)], v, mask=m)

        pltpu.sync_copy(wbuf, w_hbm)


def _build_w_stack(w_rows, w_cols, w_vals):
    nnz = w_rows.shape[0]
    nnz_pad = ((nnz + 15) // 16) * 16
    mesh = plsc.VectorSubcoreMesh(core_axis_name="c", subcore_axis_name="s")
    w_flat = pl.kernel(
        functools.partial(_sc_build_w, nnz),
        out_type=jax.ShapeDtypeStruct((WFLAT,), jnp.float32),
        mesh=mesh,
        compiler_params=pltpu.CompilerParams(needs_layout_passes=False),
        scratch_types=[
            pltpu.VMEM((nnz_pad,), jnp.int32),
            pltpu.VMEM((nnz_pad,), jnp.int32),
            pltpu.VMEM((nnz_pad,), jnp.float32),
            pltpu.VMEM((WFLAT,), jnp.float32),
        ],
    )(w_rows, w_cols, w_vals, jnp.zeros((WFLAT,), jnp.float32))
    return w_flat.reshape(KW, C_OUT, CK)


def _conv_body(*args):
    sel_ref, w_ref, b_ref, out_ref = args[-4:]
    xs = args[:-4]
    w_out = out_ref.shape[4]
    nh = out_ref.shape[2]
    padw = sel_ref.shape[1] // 2
    h = pl.program_id(1)
    row_valid = jnp.where(h > 0, 1.0, 0.0).astype(jnp.float32)
    r = [ref[0, :, 0, 0, :] for ref in xs]
    r[0] = r[0] * row_valid
    rows = jnp.concatenate(
        sum([[r[2 * q], r[2 * q + 1], r[2 * q + 2]] for q in range(nh)], []),
        axis=0)
    dims = (((1,), (0,)), ((), ()))
    par = lax.dot_general(rows, sel_ref[...], dims,
                          preferred_element_type=jnp.float32)
    for q in range(nh):
        lo = q * CK
        p0 = par[lo:lo + CK, 0:w_out]
        p1 = par[lo:lo + CK, padw:padw + w_out]
        m0 = lax.dot_general(w_ref[0], p1, dims,
                             preferred_element_type=jnp.float32)
        m1 = lax.dot_general(w_ref[1], p0, dims,
                             preferred_element_type=jnp.float32)
        m2 = lax.dot_general(w_ref[2], p1, dims,
                             preferred_element_type=jnp.float32)
        shifted = jnp.pad(m0, ((0, 0), (1, 0)))[:, :w_out]
        out_ref[0, :, q, 0, :] = m1 + m2 + shifted + b_ref[...]


def kernel(x, w_rows, w_cols, w_vals, bias):
    B, C, H, W = x.shape
    H_out, W_out = H // 2, W // 2
    PADW = 128 * ((W_out + 127) // 128)

    w_stack = _build_w_stack(w_rows, w_cols, w_vals)
    bias2 = bias.reshape(C_OUT, 1)

    j = jnp.arange(W)[:, None]
    wcol = jnp.arange(W_out)[None, :]
    pad_tail = ((0, 0), (0, PADW - W_out))
    sel_e = jnp.pad((j == 2 * wcol).astype(jnp.float32), pad_tail)
    sel_o = jnp.pad((j == 2 * wcol + 1).astype(jnp.float32), pad_tail)
    sel2 = jnp.concatenate([sel_e, sel_o], axis=1)

    xr = x.reshape(B, C, H, 1, W)
    NH = 16
    nrefs = 2 * NH + 1

    def xspec(kh):
        return pl.BlockSpec(
            (1, C, 1, 1, W),
            lambda b, h, kh=kh: (
                b, 0, jnp.maximum(2 * NH * h + kh - 1, 0), 0, 0))

    out5 = pl.pallas_call(
        _conv_body,
        grid=(B, H_out // NH),
        in_specs=[xspec(k) for k in range(nrefs)] + [
            pl.BlockSpec((W, 2 * PADW), lambda b, h: (0, 0)),
            pl.BlockSpec((KW, C_OUT, CK), lambda b, h: (0, 0, 0)),
            pl.BlockSpec((C_OUT, 1), lambda b, h: (0, 0)),
        ],
        out_specs=pl.BlockSpec((1, C_OUT, NH, 1, W_out),
                               lambda b, h: (b, 0, h, 0, 0)),
        out_shape=jax.ShapeDtypeStruct((B, C_OUT, H_out, 1, W_out),
                                       jnp.float32),
        compiler_params=pltpu.CompilerParams(
            dimension_semantics=("arbitrary", "arbitrary")),
    )(*([xr] * nrefs), sel2, w_stack, bias2)

    return out5.reshape(B, C_OUT, H_out, W_out)

# --- scband reference (transcript-rebuilt; emitter-appended) ---
"""Pipeline reference for scband-sparse-conv2d-86208583565591 (READ-ONLY COPY).

The authoritative reference and input builder live on the scoring server;
editing this copy changes nothing except your own understanding.
"""

import jax, jax.numpy as jnp
import numpy as np

C_IN, C_OUT = 96, 96
KH, KW = 3, 3
STRIDE = (2, 2)
PADDING = (1, 1)
DILATION = (1, 1)
DENSITY = 0.1
K = C_IN * KH * KW


def _unfold(x):
    # Faithful translation of torch.nn.functional.unfold (im2col), channel-major
    # patch ordering (c, kh, kw) to match torch.
    B, C, H, W = x.shape
    sH, sW = STRIDE
    pH, pW = PADDING
    dH, dW = DILATION
    H_out = (H + 2 * pH - dH * (KH - 1) - 1) // sH + 1
    W_out = (W + 2 * pW - dW * (KW - 1) - 1) // sW + 1
    xp = jnp.pad(x, ((0, 0), (0, 0), (pH, pH), (pW, pW)))
    rows = (jnp.arange(H_out) * sH)[:, None] + jnp.arange(KH)[None, :] * dH  # [H_out, KH]
    cols = (jnp.arange(W_out) * sW)[:, None] + jnp.arange(KW)[None, :] * dW  # [W_out, KW]
    p = jnp.take(xp, rows.reshape(-1), axis=2)
    p = p.reshape(B, C, H_out, KH, xp.shape[3])
    p = jnp.take(p, cols.reshape(-1), axis=4)
    p = p.reshape(B, C, H_out, KH, W_out, KW)
    p = jnp.transpose(p, (0, 1, 3, 5, 2, 4))  # [B, C, KH, KW, H_out, W_out]
    return p.reshape(B, C * KH * KW, H_out * W_out), H_out, W_out


def setup_inputs(seed: int = 0) -> dict:
    key = jax.random.key(seed)
    k1, k2, k3, k4 = jax.random.split(key, 4)
    x = jax.random.normal(k1, (4, C_IN, 224, 224), dtype=jnp.float32)
    # Sparse COO weight for spW of dense shape [C_OUT, K]
    nnz = int(C_OUT * K * DENSITY)
    flat = jax.random.choice(k2, C_OUT * K, shape=(nnz,), replace=False)
    w_rows = (flat // K).astype(jnp.int32)
    w_cols = (flat % K).astype(jnp.int32)
    w_vals = jax.random.normal(k3, (nnz,), dtype=jnp.float32) * 0.05
    bias = jax.random.normal(k4, (C_OUT,), dtype=jnp.float32) * 0.01
    return {"x": x, "w_rows": w_rows, "w_cols": w_cols, "w_vals": w_vals, "bias": bias}


def reference(x, w_rows, w_cols, w_vals, bias):
    B = x.shape[0]
    x_unf, H_out, W_out = _unfold(x)  # [B, K, L]
    L = x_unf.shape[2]
    # X_cat = x_unf.permute(1, 0, 2).view(K, B*L)
    X_cat = jnp.transpose(x_unf, (1, 0, 2)).reshape(K, B * L)
    # torch.sparse.mm(spW, X_cat): materialize COO -> dense via scatter-set, then matmul
    W = jnp.zeros((C_OUT, K), dtype=x.dtype).at[w_rows, w_cols].set(w_vals)
    Y_cat = W @ X_cat  # [C_OUT, B*L]
    Y = jnp.transpose(Y_cat.reshape(C_OUT, B, L), (1, 0, 2))  # [B, C_OUT, L]
    # F.fold with kernel (1,1) is a pure reshape
    out = Y.reshape(B, C_OUT, H_out, W_out)
    out = out + bias.reshape(1, -1, 1, 1)
    return out

if __name__ == "__main__":
    import jax
    _d = setup_inputs()
    print(jax.jit(kernel)(*tuple(_d.values())))

</pallas_src>

<mosaic_0001>
#map = affine_map<(d0, d1) -> (0)>
module attributes {stable_mosaic.version = 14 : i64} {
  func.func @_sc_build_w(%arg0: i32, %arg1: i32, %arg2: memref<8294xi32, #tpu.memory_space<hbm>>, %arg3: memref<8294xi32, #tpu.memory_space<hbm>>, %arg4: memref<8294xf32, #tpu.memory_space<hbm>>, %arg5: memref<82944xf32, #tpu.memory_space<hbm>>, %arg6: memref<82944xf32, #tpu.memory_space<hbm>>, %arg7: memref<8304xi32, #tpu.memory_space<vmem>>, %arg8: memref<8304xi32, #tpu.memory_space<vmem>>, %arg9: memref<8304xf32, #tpu.memory_space<vmem>>, %arg10: memref<82944xf32, #tpu.memory_space<vmem>>) attributes {dimension_semantics = [#tpu.dimension_semantics<core_parallel>, #tpu.dimension_semantics<subcore_parallel>], iteration_bounds = array<i64: 2, 16>, scalar_prefetch = 0 : i64, scratch_operands = 4 : i64, tpu.core_type = #tpu.core_type<sc_vector_subcore>, window_params = [{transform_indices = #map}, {transform_indices = #map}, {transform_indices = #map}, {transform_indices = #map}, {transform_indices = #map}]} {
    %mul3A = arith.constant 16 : i32
    %mul3A_0 = arith.muli %arg0, %mul3A : i32
    %add3A = arith.addi %mul3A_0, %arg1 : i32
    %eq3A = arith.constant 0 : i32
    %eq3A_1 = arith.cmpi eq, %add3A, %eq3A : i32
    %convert_element_type3A = arith.extui %eq3A_1 : i1 to i32
    %cond3A = arith.constant 0 : i32
    %cond3A_2 = arith.cmpi ne, %convert_element_type3A, %cond3A : i32
    scf.if %cond3A_2 {
      "tpu.region"() ({
        %run_scoped3A = tpu.sem_alloc : memref<!tpu.dma_semaphore, #tpu.memory_space<semaphore_mem>>
        %dma_start3A = arith.constant 0 : i32
        %dma_start3A_121 = tpu.memref_slice %arg7[%dma_start3A] : memref<8304xi32, #tpu.memory_space<vmem>> -> memref<8294xi32, #tpu.memory_space<vmem>>
        %dma_start3A_122 = arith.constant 0 : i32
        %dma_start3A_123 = tpu.memref_slice %arg7[%dma_start3A_122] : memref<8304xi32, #tpu.memory_space<vmem>> -> memref<8294xi32, #tpu.memory_space<vmem>>
        tpu.enqueue_dma source(%arg2 : memref<8294xi32, #tpu.memory_space<hbm>>) target(%dma_start3A_123 : memref<8294xi32, #tpu.memory_space<vmem>>) target_semaphore(%run_scoped3A : memref<!tpu.dma_semaphore, #tpu.memory_space<semaphore_mem>>)
        %dma_wait3A = arith.constant 0 : i32
        %dma_wait3A_124 = tpu.memref_slice %arg7[%dma_wait3A] : memref<8304xi32, #tpu.memory_space<vmem>> -> memref<8294xi32, #tpu.memory_space<vmem>>
        %dma_wait3A_125 = arith.constant 0 : i32
        %dma_wait3A_126 = tpu.memref_slice %arg7[%dma_wait3A_125] : memref<8304xi32, #tpu.memory_space<vmem>> -> memref<8294xi32, #tpu.memory_space<vmem>>
        tpu.wait_dma2 semaphore(%run_scoped3A : memref<!tpu.dma_semaphore, #tpu.memory_space<semaphore_mem>>) src(%arg2 : memref<8294xi32, #tpu.memory_space<hbm>>) dst(%dma_wait3A_126 : memref<8294xi32, #tpu.memory_space<vmem>>)
        tpu.yield
      }) : () -> ()
      "tpu.region"() ({
        %run_scoped3A = tpu.sem_alloc : memref<!tpu.dma_semaphore, #tpu.memory_space<semaphore_mem>>
        %dma_start3A = arith.constant 0 : i32
        %dma_start3A_121 = tpu.memref_slice %arg8[%dma_start3A] : memref<8304xi32, #tpu.memory_space<vmem>> -> memref<8294xi32, #tpu.memory_space<vmem>>
        %dma_start3A_122 = arith.constant 0 : i32
        %dma_start3A_123 = tpu.memref_slice %arg8[%dma_start3A_122] : memref<8304xi32, #tpu.memory_space<vmem>> -> memref<8294xi32, #tpu.memory_space<vmem>>
        tpu.enqueue_dma source(%arg3 : memref<8294xi32, #tpu.memory_space<hbm>>) target(%dma_start3A_123 : memref<8294xi32, #tpu.memory_space<vmem>>) target_semaphore(%run_scoped3A : memref<!tpu.dma_semaphore, #tpu.memory_space<semaphore_mem>>)
        %dma_wait3A = arith.constant 0 : i32
        %dma_wait3A_124 = tpu.memref_slice %arg8[%dma_wait3A] : memref<8304xi32, #tpu.memory_space<vmem>> -> memref<8294xi32, #tpu.memory_space<vmem>>
        %dma_wait3A_125 = arith.constant 0 : i32
        %dma_wait3A_126 = tpu.memref_slice %arg8[%dma_wait3A_125] : memref<8304xi32, #tpu.memory_space<vmem>> -> memref<8294xi32, #tpu.memory_space<vmem>>
        tpu.wait_dma2 semaphore(%run_scoped3A : memref<!tpu.dma_semaphore, #tpu.memory_space<semaphore_mem>>) src(%arg3 : memref<8294xi32, #tpu.memory_space<hbm>>) dst(%dma_wait3A_126 : memref<8294xi32, #tpu.memory_space<vmem>>)
        tpu.yield
      }) : () -> ()
      "tpu.region"() ({
        %run_scoped3A = tpu.sem_alloc : memref<!tpu.dma_semaphore, #tpu.memory_space<semaphore_mem>>
        %dma_start3A = arith.constant 0 : i32
        %dma_start3A_121 = tpu.memref_slice %arg9[%dma_start3A] : memref<8304xf32, #tpu.memory_space<vmem>> -> memref<8294xf32, #tpu.memory_space<vmem>>
        %dma_start3A_122 = arith.constant 0 : i32
        %dma_start3A_123 = tpu.memref_slice %arg9[%dma_start3A_122] : memref<8304xf32, #tpu.memory_space<vmem>> -> memref<8294xf32, #tpu.memory_space<vmem>>
        tpu.enqueue_dma source(%arg4 : memref<8294xf32, #tpu.memory_space<hbm>>) target(%dma_start3A_123 : memref<8294xf32, #tpu.memory_space<vmem>>) target_semaphore(%run_scoped3A : memref<!tpu.dma_semaphore, #tpu.memory_space<semaphore_mem>>)
        %dma_wait3A = arith.constant 0 : i32
        %dma_wait3A_124 = tpu.memref_slice %arg9[%dma_wait3A] : memref<8304xf32, #tpu.memory_space<vmem>> -> memref<8294xf32, #tpu.memory_space<vmem>>
        %dma_wait3A_125 = arith.constant 0 : i32
        %dma_wait3A_126 = tpu.memref_slice %arg9[%dma_wait3A_125] : memref<8304xf32, #tpu.memory_space<vmem>> -> memref<8294xf32, #tpu.memory_space<vmem>>
        tpu.wait_dma2 semaphore(%run_scoped3A : memref<!tpu.dma_semaphore, #tpu.memory_space<semaphore_mem>>) src(%arg4 : memref<8294xf32, #tpu.memory_space<hbm>>) dst(%dma_wait3A_126 : memref<8294xf32, #tpu.memory_space<vmem>>)
        tpu.yield
      }) : () -> ()
      "tpu.region"() ({
        %run_scoped3A = tpu.sem_alloc : memref<!tpu.dma_semaphore, #tpu.memory_space<semaphore_mem>>
        tpu.enqueue_dma source(%arg5 : memref<82944xf32, #tpu.memory_space<hbm>>) target(%arg10 : memref<82944xf32, #tpu.memory_space<vmem>>) target_semaphore(%run_scoped3A : memref<!tpu.dma_semaphore, #tpu.memory_space<semaphore_mem>>)
        tpu.wait_dma2 semaphore(%run_scoped3A : memref<!tpu.dma_semaphore, #tpu.memory_space<semaphore_mem>>) src(%arg5 : memref<82944xf32, #tpu.memory_space<hbm>>) dst(%arg10 : memref<82944xf32, #tpu.memory_space<vmem>>)
        tpu.yield
      }) : () -> ()
      %scan3A = arith.constant 0 : i32
      %scan3A_3 = arith.constant 0 : i32
      %scan3A_4 = arith.constant 129 : i32
      %scan3A_5 = arith.addi %scan3A_3, %scan3A_4 : i32
      %scan3A_6 = arith.constant 1 : i32
      scf.for %scan3A_121 = %scan3A_3 to %scan3A_5 step %scan3A_6  : i32 {
        %mul3A_122 = arith.constant 64 : i32
        %mul3A_123 = arith.muli %scan3A_121, %mul3A_122 : i32
        %add3A_124 = arith.constant 0 : i32
        %add3A_125 = arith.addi %mul3A_123, %add3A_124 : i32
        %get3A_126 = arith.index_cast %add3A_125 : i32 to index
        %get3A_127 = tpu.vector_load %arg7[%get3A_126] {strides = array<i32>} : memref<8304xi32, #tpu.memory_space<vmem>>, vector<16xi32>,
        %get3A_128 = arith.index_cast %add3A_125 : i32 to index
        %get3A_129 = tpu.vector_load %arg8[%get3A_128] {strides = array<i32>} : memref<8304xi32, #tpu.memory_space<vmem>>, vector<16xi32>,
        %get3A_130 = arith.index_cast %add3A_125 : i32 to index
        %get3A_131 = tpu.vector_load %arg9[%get3A_130] {strides = array<i32>} : memref<8304xf32, #tpu.memory_space<vmem>>, vector<16xf32>,
        %mul3A_132 = arith.constant 7282 : i32
        %mul3A_133 = vector.broadcast %mul3A_132 : i32 to vector<16xi32>
        %mul3A_134 = arith.muli %get3A_129, %mul3A_133 : vector<16xi32>
        %shift_right_arithmetic3A_135 = arith.constant 16 : i32
        %shift_right_arithmetic3A_136 = vector.broadcast %shift_right_arithmetic3A_135 : i32 to vector<16xi32>
        %shift_right_arithmetic3A_137 = arith.shrsi %mul3A_134, %shift_right_arithmetic3A_136 : vector<16xi32>
        %mul3A_138 = arith.constant 9 : i32
        %mul3A_139 = vector.broadcast %mul3A_138 : i32 to vector<16xi32>
        %mul3A_140 = arith.muli %shift_right_arithmetic3A_137, %mul3A_139 : vector<16xi32>
        %sub3A_141 = arith.subi %get3A_129, %mul3A_140 : vector<16xi32>
        %mul3A_142 = arith.constant 11 : i32
        %mul3A_143 = vector.broadcast %mul3A_142 : i32 to vector<16xi32>
        %mul3A_144 = arith.muli %sub3A_141, %mul3A_143 : vector<16xi32>
        %shift_right_arithmetic3A_145 = arith.constant 5 : i32
        %shift_right_arithmetic3A_146 = vector.broadcast %shift_right_arithmetic3A_145 : i32 to vector<16xi32>
        %shift_right_arithmetic3A_147 = arith.shrsi %mul3A_144, %shift_right_arithmetic3A_146 : vector<16xi32>
        %mul3A_148 = arith.constant 3 : i32
        %mul3A_149 = vector.broadcast %mul3A_148 : i32 to vector<16xi32>
        %mul3A_150 = arith.muli %shift_right_arithmetic3A_147, %mul3A_149 : vector<16xi32>
        %sub3A_151 = arith.subi %sub3A_141, %mul3A_150 : vector<16xi32>
        %mul3A_152 = arith.constant 96 : i32
        %mul3A_153 = vector.broadcast %mul3A_152 : i32 to vector<16xi32>
        %mul3A_154 = arith.muli %sub3A_151, %mul3A_153 : vector<16xi32>
        %add3A_155 = arith.addi %mul3A_154, %get3A_127 : vector<16xi32>
        %mul3A_156 = arith.constant 288 : i32
        %mul3A_157 = vector.broadcast %mul3A_156 : i32 to vector<16xi32>
        %mul3A_158 = arith.muli %add3A_155, %mul3A_157 : vector<16xi32>
        %mul3A_159 = arith.constant 96 : i32
        %mul3A_160 = vector.broadcast %mul3A_159 : i32 to vector<16xi32>
        %mul3A_161 = arith.muli %shift_right_arithmetic3A_147, %mul3A_160 : vector<16xi32>
        %add3A_162 = arith.addi %mul3A_158, %mul3A_161 : vector<16xi32>
        %add3A_163 = arith.addi %add3A_162, %shift_right_arithmetic3A_137 : vector<16xi32>
        tpu.vector_store_idx %arg10[%add3A_163], %get3A_131 : memref<82944xf32, #tpu.memory_space<vmem>>[vector<16xi32>], vector<16xf32>,
        %mul3A_164 = arith.constant 64 : i32
        %mul3A_165 = arith.muli %scan3A_121, %mul3A_164 : i32
        %add3A_166 = arith.constant 16 : i32
        %add3A_167 = arith.addi %mul3A_165, %add3A_166 : i32
        %get3A_168 = arith.index_cast %add3A_167 : i32 to index
        %get3A_169 = tpu.vector_load %arg7[%get3A_168] {strides = array<i32>} : memref<8304xi32, #tpu.memory_space<vmem>>, vector<16xi32>,
        %get3A_170 = arith.index_cast %add3A_167 : i32 to index
        %get3A_171 = tpu.vector_load %arg8[%get3A_170] {strides = array<i32>} : memref<8304xi32, #tpu.memory_space<vmem>>, vector<16xi32>,
        %get3A_172 = arith.index_cast %add3A_167 : i32 to index
        %get3A_173 = tpu.vector_load %arg9[%get3A_172] {strides = array<i32>} : memref<8304xf32, #tpu.memory_space<vmem>>, vector<16xf32>,
        %mul3A_174 = arith.constant 7282 : i32
        %mul3A_175 = vector.broadcast %mul3A_174 : i32 to vector<16xi32>
        %mul3A_176 = arith.muli %get3A_171, %mul3A_175 : vector<16xi32>
        %shift_right_arithmetic3A_177 = arith.constant 16 : i32
        %shift_right_arithmetic3A_178 = vector.broadcast %shift_right_arithmetic3A_177 : i32 to vector<16xi32>
        %shift_right_arithmetic3A_179 = arith.shrsi %mul3A_176, %shift_right_arithmetic3A_178 : vector<16xi32>
        %mul3A_180 = arith.constant 9 : i32
        %mul3A_181 = vector.broadcast %mul3A_180 : i32 to vector<16xi32>
        %mul3A_182 = arith.muli %shift_right_arithmetic3A_179, %mul3A_181 : vector<16xi32>
        %sub3A_183 = arith.subi %get3A_171, %mul3A_182 : vector<16xi32>
        %mul3A_184 = arith.constant 11 : i32
        %mul3A_185 = vector.broadcast %mul3A_184 : i32 to vector<16xi32>
        %mul3A_186 = arith.muli %sub3A_183, %mul3A_185 : vector<16xi32>
        %shift_right_arithmetic3A_187 = arith.constant 5 : i32
        %shift_right_arithmetic3A_188 = vector.broadcast %shift_right_arithmetic3A_187 : i32 to vector<16xi32>
        %shift_right_arithmetic3A_189 = arith.shrsi %mul3A_186, %shift_right_arithmetic3A_188 : vector<16xi32>
        %mul3A_190 = arith.constant 3 : i32
        %mul3A_191 = vector.broadcast %mul3A_190 : i32 to vector<16xi32>
        %mul3A_192 = arith.muli %shift_right_arithmetic3A_189, %mul3A_191 : vector<16xi32>
        %sub3A_193 = arith.subi %sub3A_183, %mul3A_192 : vector<16xi32>
        %mul3A_194 = arith.constant 96 : i32
        %mul3A_195 = vector.broadcast %mul3A_194 : i32 to vector<16xi32>
        %mul3A_196 = arith.muli %sub3A_193, %mul3A_195 : vector<16xi32>
        %add3A_197 = arith.addi %mul3A_196, %get3A_169 : vector<16xi32>
        %mul3A_198 = arith.constant 288 : i32
        %mul3A_199 = vector.broadcast %mul3A_198 : i32 to vector<16xi32>
        %mul3A_200 = arith.muli %add3A_197, %mul3A_199 : vector<16xi32>
        %mul3A_201 = arith.constant 96 : i32
        %mul3A_202 = vector.broadcast %mul3A_201 : i32 to vector<16xi32>
        %mul3A_203 = arith.muli %shift_right_arithmetic3A_189, %mul3A_202 : vector<16xi32>
        %add3A_204 = arith.addi %mul3A_200, %mul3A_203 : vector<16xi32>
        %add3A_205 = arith.addi %add3A_204, %shift_right_arithmetic3A_179 : vector<16xi32>
        tpu.vector_store_idx %arg10[%add3A_205], %get3A_173 : memref<82944xf32, #tpu.memory_space<vmem>>[vector<16xi32>], vector<16xf32>,
        %mul3A_206 = arith.constant 64 : i32
        %mul3A_207 = arith.muli %scan3A_121, %mul3A_206 : i32
        %add3A_208 = arith.constant 32 : i32
        %add3A_209 = arith.addi %mul3A_207, %add3A_208 : i32
        %get3A_210 = arith.index_cast %add3A_209 : i32 to index
        %get3A_211 = tpu.vector_load %arg7[%get3A_210] {strides = array<i32>} : memref<8304xi32, #tpu.memory_space<vmem>>, vector<16xi32>,
        %get3A_212 = arith.index_cast %add3A_209 : i32 to index
        %get3A_213 = tpu.vector_load %arg8[%get3A_212] {strides = array<i32>} : memref<8304xi32, #tpu.memory_space<vmem>>, vector<16xi32>,
        %get3A_214 = arith.index_cast %add3A_209 : i32 to index
        %get3A_215 = tpu.vector_load %arg9[%get3A_214] {strides = array<i32>} : memref<8304xf32, #tpu.memory_space<vmem>>, vector<16xf32>,
        %mul3A_216 = arith.constant 7282 : i32
        %mul3A_217 = vector.broadcast %mul3A_216 : i32 to vector<16xi32>
        %mul3A_218 = arith.muli %get3A_213, %mul3A_217 : vector<16xi32>
        %shift_right_arithmetic3A_219 = arith.constant 16 : i32
        %shift_right_arithmetic3A_220 = vector.broadcast %shift_right_arithmetic3A_219 : i32 to vector<16xi32>
        %shift_right_arithmetic3A_221 = arith.shrsi %mul3A_218, %shift_right_arithmetic3A_220 : vector<16xi32>
        %mul3A_222 = arith.constant 9 : i32
        %mul3A_223 = vector.broadcast %mul3A_222 : i32 to vector<16xi32>
        %mul3A_224 = arith.muli %shift_right_arithmetic3A_221, %mul3A_223 : vector<16xi32>
        %sub3A_225 = arith.subi %get3A_213, %mul3A_224 : vector<16xi32>
        %mul3A_226 = arith.constant 11 : i32
        %mul3A_227 = vector.broadcast %mul3A_226 : i32 to vector<16xi32>
        %mul3A_228 = arith.muli %sub3A_225, %mul3A_227 : vector<16xi32>
        %shift_right_arithmetic3A_229 = arith.constant 5 : i32
        %shift_right_arithmetic3A_230 = vector.broadcast %shift_right_arithmetic3A_229 : i32 to vector<16xi32>
        %shift_right_arithmetic3A_231 = arith.shrsi %mul3A_228, %shift_right_arithmetic3A_230 : vector<16xi32>
        %mul3A_232 = arith.constant 3 : i32
        %mul3A_233 = vector.broadcast %mul3A_232 : i32 to vector<16xi32>
        %mul3A_234 = arith.muli %shift_right_arithmetic3A_231, %mul3A_233 : vector<16xi32>
        %sub3A_235 = arith.subi %sub3A_225, %mul3A_234 : vector<16xi32>
        %mul3A_236 = arith.constant 96 : i32
        %mul3A_237 = vector.broadcast %mul3A_236 : i32 to vector<16xi32>
        %mul3A_238 = arith.muli %sub3A_235, %mul3A_237 : vector<16xi32>
        %add3A_239 = arith.addi %mul3A_238, %get3A_211 : vector<16xi32>
        %mul3A_240 = arith.constant 288 : i32
        %mul3A_241 = vector.broadcast %mul3A_240 : i32 to vector<16xi32>
        %mul3A_242 = arith.muli %add3A_239, %mul3A_241 : vector<16xi32>
        %mul3A_243 = arith.constant 96 : i32
        %mul3A_244 = vector.broadcast %mul3A_243 : i32 to vector<16xi32>
        %mul3A_245 = arith.muli %shift_right_arithmetic3A_231, %mul3A_244 : vector<16xi32>
        %add3A_246 = arith.addi %mul3A_242, %mul3A_245 : vector<16xi32>
        %add3A_247 = arith.addi %add3A_246, %shift_right_arithmetic3A_221 : vector<16xi32>
        tpu.vector_store_idx %arg10[%add3A_247], %get3A_215 : memref<82944xf32, #tpu.memory_space<vmem>>[vector<16xi32>], vector<16xf32>,
        %mul3A_248 = arith.constant 64 : i32
        %mul3A_249 = arith.muli %scan3A_121, %mul3A_248 : i32
        %add3A_250 = arith.constant 48 : i32
        %add3A_251 = arith.addi %mul3A_249, %add3A_250 : i32
        %get3A_252 = arith.index_cast %add3A_251 : i32 to index
        %get3A_253 = tpu.vector_load %arg7[%get3A_252] {strides = array<i32>} : memref<8304xi32, #tpu.memory_space<vmem>>, vector<16xi32>,
        %get3A_254 = arith.index_cast %add3A_251 : i32 to index
        %get3A_255 = tpu.vector_load %arg8[%get3A_254] {strides = array<i32>} : memref<8304xi32, #tpu.memory_space<vmem>>, vector<16xi32>,
        %get3A_256 = arith.index_cast %add3A_251 : i32 to index
        %get3A_257 = tpu.vector_load %arg9[%get3A_256] {strides = array<i32>} : memref<8304xf32, #tpu.memory_space<vmem>>, vector<16xf32>,
        %mul3A_258 = arith.constant 7282 : i32
        %mul3A_259 = vector.broadcast %mul3A_258 : i32 to vector<16xi32>
        %mul3A_260 = arith.muli %get3A_255, %mul3A_259 : vector<16xi32>
        %shift_right_arithmetic3A_261 = arith.constant 16 : i32
        %shift_right_arithmetic3A_262 = vector.broadcast %shift_right_arithmetic3A_261 : i32 to vector<16xi32>
        %shift_right_arithmetic3A_263 = arith.shrsi %mul3A_260, %shift_right_arithmetic3A_262 : vector<16xi32>
        %mul3A_264 = arith.constant 9 : i32
        %mul3A_265 = vector.broadcast %mul3A_264 : i32 to vector<16xi32>
        %mul3A_266 = arith.muli %shift_right_arithmetic3A_263, %mul3A_265 : vector<16xi32>
        %sub3A_267 = arith.subi %get3A_255, %mul3A_266 : vector<16xi32>
        %mul3A_268 = arith.constant 11 : i32
        %mul3A_269 = vector.broadcast %mul3A_268 : i32 to vector<16xi32>
        %mul3A_270 = arith.muli %sub3A_267, %mul3A_269 : vector<16xi32>
        %shift_right_arithmetic3A_271 = arith.constant 5 : i32
        %shift_right_arithmetic3A_272 = vector.broadcast %shift_right_arithmetic3A_271 : i32 to vector<16xi32>
        %shift_right_arithmetic3A_273 = arith.shrsi %mul3A_270, %shift_right_arithmetic3A_272 : vector<16xi32>
        %mul3A_274 = arith.constant 3 : i32
        %mul3A_275 = vector.broadcast %mul3A_274 : i32 to vector<16xi32>
        %mul3A_276 = arith.muli %shift_right_arithmetic3A_273, %mul3A_275 : vector<16xi32>
        %sub3A_277 = arith.subi %sub3A_267, %mul3A_276 : vector<16xi32>
        %mul3A_278 = arith.constant 96 : i32
        %mul3A_279 = vector.broadcast %mul3A_278 : i32 to vector<16xi32>
        %mul3A_280 = arith.muli %sub3A_277, %mul3A_279 : vector<16xi32>
        %add3A_281 = arith.addi %mul3A_280, %get3A_253 : vector<16xi32>
        %mul3A_282 = arith.constant 288 : i32
        %mul3A_283 = vector.broadcast %mul3A_282 : i32 to vector<16xi32>
        %mul3A_284 = arith.muli %add3A_281, %mul3A_283 : vector<16xi32>
        %mul3A_285 = arith.constant 96 : i32
        %mul3A_286 = vector.broadcast %mul3A_285 : i32 to vector<16xi32>
        %mul3A_287 = arith.muli %shift_right_arithmetic3A_273, %mul3A_286 : vector<16xi32>
        %add3A_288 = arith.addi %mul3A_284, %mul3A_287 : vector<16xi32>
        %add3A_289 = arith.addi %add3A_288, %shift_right_arithmetic3A_263 : vector<16xi32>
        tpu.vector_store_idx %arg10[%add3A_289], %get3A_257 : memref<82944xf32, #tpu.memory_space<vmem>>[vector<16xi32>], vector<16xf32>,
      }
      %scan3A_7 = arith.constant 129 : i32
      %get3A = arith.constant 8256 : index
      %get3A_8 = tpu.vector_load %arg7[%get3A] {strides = array<i32>} : memref<8304xi32, #tpu.memory_space<vmem>>, vector<16xi32>,
      %get3A_9 = arith.constant 8256 : index
      %get3A_10 = tpu.vector_load %arg8[%get3A_9] {strides = array<i32>} : memref<8304xi32, #tpu.memory_space<vmem>>, vector<16xi32>,
      %get3A_11 = arith.constant 8256 : index
      %get3A_12 = tpu.vector_load %arg9[%get3A_11] {strides = array<i32>} : memref<8304xf32, #tpu.memory_space<vmem>>, vector<16xf32>,
      %mul3A_13 = arith.constant 7282 : i32
      %mul3A_14 = vector.broadcast %mul3A_13 : i32 to vector<16xi32>
      %mul3A_15 = arith.muli %get3A_10, %mul3A_14 : vector<16xi32>
      %shift_right_arithmetic3A = arith.constant 16 : i32
      %shift_right_arithmetic3A_16 = vector.broadcast %shift_right_arithmetic3A : i32 to vector<16xi32>
      %shift_right_arithmetic3A_17 = arith.shrsi %mul3A_15, %shift_right_arithmetic3A_16 : vector<16xi32>
      %mul3A_18 = arith.constant 9 : i32
      %mul3A_19 = vector.broadcast %mul3A_18 : i32 to vector<16xi32>
      %mul3A_20 = arith.muli %shift_right_arithmetic3A_17, %mul3A_19 : vector<16xi32>
      %sub3A = arith.subi %get3A_10, %mul3A_20 : vector<16xi32>
      %mul3A_21 = arith.constant 11 : i32
      %mul3A_22 = vector.broadcast %mul3A_21 : i32 to vector<16xi32>
      %mul3A_23 = arith.muli %sub3A, %mul3A_22 : vector<16xi32>
      %shift_right_arithmetic3A_24 = arith.constant 5 : i32
      %shift_right_arithmetic3A_25 = vector.broadcast %shift_right_arithmetic3A_24 : i32 to vector<16xi32>
      %shift_right_arithmetic3A_26 = arith.shrsi %mul3A_23, %shift_right_arithmetic3A_25 : vector<16xi32>
      %mul3A_27 = arith.constant 3 : i32
      %mul3A_28 = vector.broadcast %mul3A_27 : i32 to vector<16xi32>
      %mul3A_29 = arith.muli %shift_right_arithmetic3A_26, %mul3A_28 : vector<16xi32>
      %sub3A_30 = arith.subi %sub3A, %mul3A_29 : vector<16xi32>
      %mul3A_31 = arith.constant 96 : i32
      %mul3A_32 = vector.broadcast %mul3A_31 : i32 to vector<16xi32>
      %mul3A_33 = arith.muli %sub3A_30, %mul3A_32 : vector<16xi32>
      %add3A_34 = arith.addi %mul3A_33, %get3A_8 : vector<16xi32>
      %mul3A_35 = arith.constant 288 : i32
      %mul3A_36 = vector.broadcast %mul3A_35 : i32 to vector<16xi32>
      %mul3A_37 = arith.muli %add3A_34, %mul3A_36 : vector<16xi32>
      %mul3A_38 = arith.constant 96 : i32
      %mul3A_39 = vector.broadcast %mul3A_38 : i32 to vector<16xi32>
      %mul3A_40 = arith.muli %shift_right_arithmetic3A_26, %mul3A_39 : vector<16xi32>
      %add3A_41 = arith.addi %mul3A_37, %mul3A_40 : vector<16xi32>
      %add3A_42 = arith.addi %add3A_41, %shift_right_arithmetic3A_17 : vector<16xi32>
      tpu.vector_store_idx %arg10[%add3A_42], %get3A_12 : memref<82944xf32, #tpu.memory_space<vmem>>[vector<16xi32>], vector<16xf32>,
      %get3A_43 = arith.constant 8272 : index
      %get3A_44 = tpu.vector_load %arg7[%get3A_43] {strides = array<i32>} : memref<8304xi32, #tpu.memory_space<vmem>>, vector<16xi32>,
      %get3A_45 = arith.constant 8272 : index
      %get3A_46 = tpu.vector_load %arg8[%get3A_45] {strides = array<i32>} : memref<8304xi32, #tpu.memory_space<vmem>>, vector<16xi32>,
      %get3A_47 = arith.constant 8272 : index
      %get3A_48 = tpu.vector_load %arg9[%get3A_47] {strides = array<i32>} : memref<8304xf32, #tpu.memory_space<vmem>>, vector<16xf32>,
      %mul3A_49 = arith.constant 7282 : i32
      %mul3A_50 = vector.broadcast %mul3A_49 : i32 to vector<16xi32>
      %mul3A_51 = arith.muli %get3A_46, %mul3A_50 : vector<16xi32>
      %shift_right_arithmetic3A_52 = arith.constant 16 : i32
      %shift_right_arithmetic3A_53 = vector.broadcast %shift_right_arithmetic3A_52 : i32 to vector<16xi32>
      %shift_right_arithmetic3A_54 = arith.shrsi %mul3A_51, %shift_right_arithmetic3A_53 : vector<16xi32>
      %mul3A_55 = arith.constant 9 : i32
      %mul3A_56 = vector.broadcast %mul3A_55 : i32 to vector<16xi32>
      %mul3A_57 = arith.muli %shift_right_arithmetic3A_54, %mul3A_56 : vector<16xi32>
      %sub3A_58 = arith.subi %get3A_46, %mul3A_57 : vector<16xi32>
      %mul3A_59 = arith.constant 11 : i32
      %mul3A_60 = vector.broadcast %mul3A_59 : i32 to vector<16xi32>
      %mul3A_61 = arith.muli %sub3A_58, %mul3A_60 : vector<16xi32>
      %shift_right_arithmetic3A_62 = arith.constant 5 : i32
      %shift_right_arithmetic3A_63 = vector.broadcast %shift_right_arithmetic3A_62 : i32 to vector<16xi32>
      %shift_right_arithmetic3A_64 = arith.shrsi %mul3A_61, %shift_right_arithmetic3A_63 : vector<16xi32>
      %mul3A_65 = arith.constant 3 : i32
      %mul3A_66 = vector.broadcast %mul3A_65 : i32 to vector<16xi32>
      %mul3A_67 = arith.muli %shift_right_arithmetic3A_64, %mul3A_66 : vector<16xi32>
      %sub3A_68 = arith.subi %sub3A_58, %mul3A_67 : vector<16xi32>
      %mul3A_69 = arith.constant 96 : i32
      %mul3A_70 = vector.broadcast %mul3A_69 : i32 to vector<16xi32>
      %mul3A_71 = arith.muli %sub3A_68, %mul3A_70 : vector<16xi32>
      %add3A_72 = arith.addi %mul3A_71, %get3A_44 : vector<16xi32>
      %mul3A_73 = arith.constant 288 : i32
      %mul3A_74 = vector.broadcast %mul3A_73 : i32 to vector<16xi32>
      %mul3A_75 = arith.muli %add3A_72, %mul3A_74 : vector<16xi32>
      %mul3A_76 = arith.constant 96 : i32
      %mul3A_77 = vector.broadcast %mul3A_76 : i32 to vector<16xi32>
      %mul3A_78 = arith.muli %shift_right_arithmetic3A_64, %mul3A_77 : vector<16xi32>
      %add3A_79 = arith.addi %mul3A_75, %mul3A_78 : vector<16xi32>
      %add3A_80 = arith.addi %add3A_79, %shift_right_arithmetic3A_54 : vector<16xi32>
      tpu.vector_store_idx %arg10[%add3A_80], %get3A_48 : memref<82944xf32, #tpu.memory_space<vmem>>[vector<16xi32>], vector<16xf32>,
      %get3A_81 = arith.constant 8288 : index
      %get3A_82 = tpu.vector_load %arg7[%get3A_81] {strides = array<i32>} : memref<8304xi32, #tpu.memory_space<vmem>>, vector<16xi32>,
      %get3A_83 = arith.constant 8288 : index
      %get3A_84 = tpu.vector_load %arg8[%get3A_83] {strides = array<i32>} : memref<8304xi32, #tpu.memory_space<vmem>>, vector<16xi32>,
      %get3A_85 = arith.constant 8288 : index
      %get3A_86 = tpu.vector_load %arg9[%get3A_85] {strides = array<i32>} : memref<8304xf32, #tpu.memory_space<vmem>>, vector<16xf32>,
      %iota3A = tpu.iota {dimensions = array<i32: 0>} : vector<16xi32>
      %lt3A = arith.constant 6 : i32
      %lt3A_87 = vector.broadcast %lt3A : i32 to vector<16xi32>
      %lt3A_88 = arith.cmpi slt, %iota3A, %lt3A_87 : vector<16xi32>
      %mul3A_89 = arith.constant 7282 : i32
      %mul3A_90 = vector.broadcast %mul3A_89 : i32 to vector<16xi32>
      %mul3A_91 = arith.muli %get3A_84, %mul3A_90 : vector<16xi32>
      %shift_right_arithmetic3A_92 = arith.constant 16 : i32
      %shift_right_arithmetic3A_93 = vector.broadcast %shift_right_arithmetic3A_92 : i32 to vector<16xi32>
      %shift_right_arithmetic3A_94 = arith.shrsi %mul3A_91, %shift_right_arithmetic3A_93 : vector<16xi32>
      %mul3A_95 = arith.constant 9 : i32
      %mul3A_96 = vector.broadcast %mul3A_95 : i32 to vector<16xi32>
      %mul3A_97 = arith.muli %shift_right_arithmetic3A_94, %mul3A_96 : vector<16xi32>
      %sub3A_98 = arith.subi %get3A_84, %mul3A_97 : vector<16xi32>
      %mul3A_99 = arith.constant 11 : i32
      %mul3A_100 = vector.broadcast %mul3A_99 : i32 to vector<16xi32>
      %mul3A_101 = arith.muli %sub3A_98, %mul3A_100 : vector<16xi32>
      %shift_right_arithmetic3A_102 = arith.constant 5 : i32
      %shift_right_arithmetic3A_103 = vector.broadcast %shift_right_arithmetic3A_102 : i32 to vector<16xi32>
      %shift_right_arithmetic3A_104 = arith.shrsi %mul3A_101, %shift_right_arithmetic3A_103 : vector<16xi32>
      %mul3A_105 = arith.constant 3 : i32
      %mul3A_106 = vector.broadcast %mul3A_105 : i32 to vector<16xi32>
      %mul3A_107 = arith.muli %shift_right_arithmetic3A_104, %mul3A_106 : vector<16xi32>
      %sub3A_108 = arith.subi %sub3A_98, %mul3A_107 : vector<16xi32>
      %mul3A_109 = arith.constant 96 : i32
      %mul3A_110 = vector.broadcast %mul3A_109 : i32 to vector<16xi32>
      %mul3A_111 = arith.muli %sub3A_108, %mul3A_110 : vector<16xi32>
      %add3A_112 = arith.addi %mul3A_111, %get3A_82 : vector<16xi32>
      %mul3A_113 = arith.constant 288 : i32
      %mul3A_114 = vector.broadcast %mul3A_113 : i32 to vector<16xi32>
      %mul3A_115 = arith.muli %add3A_112, %mul3A_114 : vector<16xi32>
      %mul3A_116 = arith.constant 96 : i32
      %mul3A_117 = vector.broadcast %mul3A_116 : i32 to vector<16xi32>
      %mul3A_118 = arith.muli %shift_right_arithmetic3A_104, %mul3A_117 : vector<16xi32>
      %add3A_119 = arith.addi %mul3A_115, %mul3A_118 : vector<16xi32>
      %add3A_120 = arith.addi %add3A_119, %shift_right_arithmetic3A_94 : vector<16xi32>
      tpu.vector_store_idx %arg10[%add3A_120], %get3A_86 masked %lt3A_88 : memref<82944xf32, #tpu.memory_space<vmem>>[vector<16xi32>], vector<16xf32>, vector<16xi1>
      "tpu.region"() ({
        %run_scoped3A = tpu.sem_alloc : memref<!tpu.dma_semaphore, #tpu.memory_space<semaphore_mem>>
        tpu.enqueue_dma source(%arg10 : memref<82944xf32, #tpu.memory_space<vmem>>) target(%arg6 : memref<82944xf32, #tpu.memory_space<hbm>>) target_semaphore(%run_scoped3A : memref<!tpu.dma_semaphore, #tpu.memory_space<semaphore_mem>>)
        tpu.wait_dma2 semaphore(%run_scoped3A : memref<!tpu.dma_semaphore, #tpu.memory_space<semaphore_mem>>) src(%arg10 : memref<82944xf32, #tpu.memory_space<vmem>>) dst(%arg6 : memref<82944xf32, #tpu.memory_space<hbm>>)
        tpu.yield
      }) : () -> ()
    } else {
    }
    return
  }
}

module attributes {stable_mosaic.version = 14 : i64} {
  func.func @_conv_body(%arg0: i32, %arg1: i32, %arg2: memref<1x96x1x1x224xf32, #tpu.memory_space<vmem>>, %arg3: memref<1x96x1x1x224xf32, #tpu.memory_space<vmem>>, %arg4: memref<1x96x1x1x224xf32, #tpu.memory_space<vmem>>, %arg5: memref<1x96x1x1x224xf32, #tpu.memory_space<vmem>>, %arg6: memref<1x96x1x1x224xf32, #tpu.memory_space<vmem>>, %arg7: memref<1x96x1x1x224xf32, #tpu.memory_space<vmem>>, %arg8: memref<1x96x1x1x224xf32, #tpu.memory_space<vmem>>, %arg9: memref<1x96x1x1x224xf32, #tpu.memory_space<vmem>>, %arg10: memref<1x96x1x1x224xf32, #tpu.memory_space<vmem>>, %arg11: memref<1x96x1x1x224xf32, #tpu.memory_space<vmem>>, %arg12: memref<1x96x1x1x224xf32, #tpu.memory_space<vmem>>, %arg13: memref<1x96x1x1x224xf32, #tpu.memory_space<vmem>>, %arg14: memref<1x96x1x1x224xf32, #tpu.memory_space<vmem>>, %arg15: memref<1x96x1x1x224xf32, #tpu.memory_space<vmem>>, %arg16: memref<1x96x1x1x224xf32, #tpu.memory_space<vmem>>, %arg17: memref<1x96x1x1x224xf32, #tpu.memory_space<vmem>>, %arg18: memref<1x96x1x1x224xf32, #tpu.memory_space<vmem>>, %arg19: memref<1x96x1x1x224xf32, #tpu.memory_space<vmem>>, %arg20: memref<1x96x1x1x224xf32, #tpu.memory_space<vmem>>, %arg21: memref<1x96x1x1x224xf32, #tpu.memory_space<vmem>>, %arg22: memref<1x96x1x1x224xf32, #tpu.memory_space<vmem>>, %arg23: memref<1x96x1x1x224xf32, #tpu.memory_space<vmem>>, %arg24: memref<1x96x1x1x224xf32, #tpu.memory_space<vmem>>, %arg25: memref<1x96x1x1x224xf32, #tpu.memory_space<vmem>>, %arg26: memref<1x96x1x1x224xf32, #tpu.memory_space<vmem>>, %arg27: memref<1x96x1x1x224xf32, #tpu.memory_space<vmem>>, %arg28: memref<1x96x1x1x224xf32, #tpu.memory_space<vmem>>, %arg29: memref<1x96x1x1x224xf32, #tpu.memory_space<vmem>>, %arg30: memref<1x96x1x1x224xf32, #tpu.memory_space<vmem>>, %arg31: memref<1x96x1x1x224xf32, #tpu.memory_space<vmem>>, %arg32: memref<1x96x1x1x224xf32, #tpu.memory_space<vmem>>, %arg33: memref<1x96x1x1x224xf32, #tpu.memory_space<vmem>>, %arg34: memref<1x96x1x1x224xf32, #tpu.memory_space<vmem>>, %arg35: memref<224x256xf32, #tpu.memory_space<vmem>>, %arg36: memref<3x96x288xf32, #tpu.memory_space<vmem>>, %arg37: memref<96x1xf32, #tpu.memory_space<vmem>>, %arg38: memref<1x96x16x1x112xf32, #tpu.memory_space<vmem>>) attributes {dimension_semantics = [#tpu.dimension_semantics<arbitrary>, #tpu.dimension_semantics<arbitrary>], iteration_bounds = array<i64: 4, 7>, scalar_prefetch = 0 : i64, scratch_operands = 0 : i64, tpu.core_type = #tpu.core_type<tc>, window_params = [{transform_indices = @transform_0, window_bounds = array<i64: 1, 96, 1, 1, 224>}, {transform_indices = @transform_1, window_bounds = array<i64: 1, 96, 1, 1, 224>}, {transform_indices = @transform_2, window_bounds = array<i64: 1, 96, 1, 1, 224>}, {transform_indices = @transform_3, window_bounds = array<i64: 1, 96, 1, 1, 224>}, {transform_indices = @transform_4, window_bounds = array<i64: 1, 96, 1, 1, 224>}, {transform_indices = @transform_5, window_bounds = array<i64: 1, 96, 1, 1, 224>}, {transform_indices = @transform_6, window_bounds = array<i64: 1, 96, 1, 1, 224>}, {transform_indices = @transform_7, window_bounds = array<i64: 1, 96, 1, 1, 224>}, {transform_indices = @transform_8, window_bounds = array<i64: 1, 96, 1, 1, 224>}, {transform_indices = @transform_9, window_bounds = array<i64: 1, 96, 1, 1, 224>}, {transform_indices = @transform_10, window_bounds = array<i64: 1, 96, 1, 1, 224>}, {transform_indices = @transform_11, window_bounds = array<i64: 1, 96, 1, 1, 224>}, {transform_indices = @transform_12, window_bounds = array<i64: 1, 96, 1, 1, 224>}, {transform_indices = @transform_13, window_bounds = array<i64: 1, 96, 1, 1, 224>}, {transform_indices = @transform_14, window_bounds = array<i64: 1, 96, 1, 1, 224>}, {transform_indices = @transform_15, window_bounds = array<i64: 1, 96, 1, 1, 224>}, {transform_indices = @transform_16, window_bounds = array<i64: 1, 96, 1, 1, 224>}, {transform_indices = @transform_17, window_bounds = array<i64: 1, 96, 1, 1, 224>}, {transform_indices = @transform_18, window_bounds = array<i64: 1, 96, 1, 1, 224>}, {transform_indices = @transform_19, window_bounds = array<i64: 1, 96, 1, 1, 224>}, {transform_indices = @transform_20, window_bounds = array<i64: 1, 96, 1, 1, 224>}, {transform_indices = @transform_21, window_bounds = array<i64: 1, 96, 1, 1, 224>}, {transform_indices = @transform_22, window_bounds = array<i64: 1, 96, 1, 1, 224>}, {transform_indices = @transform_23, window_bounds = array<i64: 1, 96, 1, 1, 224>}, {transform_indices = @transform_24, window_bounds = array<i64: 1, 96, 1, 1, 224>}, {transform_indices = @transform_25, window_bounds = array<i64: 1, 96, 1, 1, 224>}, {transform_indices = @transform_26, window_bounds = array<i64: 1, 96, 1, 1, 224>}, {transform_indices = @transform_27, window_bounds = array<i64: 1, 96, 1, 1, 224>}, {transform_indices = @transform_28, window_bounds = array<i64: 1, 96, 1, 1, 224>}, {transform_indices = @transform_29, window_bounds = array<i64: 1, 96, 1, 1, 224>}, {transform_indices = @transform_30, window_bounds = array<i64: 1, 96, 1, 1, 224>}, {transform_indices = @transform_31, window_bounds = array<i64: 1, 96, 1, 1, 224>}, {transform_indices = @transform_32, window_bounds = array<i64: 1, 96, 1, 1, 224>}, {pipeline_mode = #tpu.pipeline_mode<synchronous>, transform_indices = @transform_33, window_bounds = array<i64: 224, 256>}, {pipeline_mode = #tpu.pipeline_mode<synchronous>, transform_indices = @transform_34, window_bounds = array<i64: 3, 96, 288>}, {pipeline_mode = #tpu.pipeline_mode<synchronous>, transform_indices = @transform_35, window_bounds = array<i64: 96, 1>}, {transform_indices = @transform_36, window_bounds = array<i64: 1, 96, 16, 1, 112>}]} {
    %gt3A = arith.constant 0 : i32
    %gt3A_0 = arith.cmpi sgt, %arg1, %gt3A : i32
    %jit3A = arith.constant 1.000000e+00 : f32
    %jit3A_1 = arith.constant 0.000000e+00 : f32
    %select_n3A = arith.select %gt3A_0, %jit3A, %jit3A_1 : f32
    %get3A = arith.constant 0 : index
    %get3A_2 = arith.constant 0 : index
    %get3A_3 = arith.constant 0 : index
    %get3A_4 = arith.constant 0 : index
    %get3A_5 = arith.constant 0 : index
    %get3A_6 = vector.load %arg2[%get3A, %get3A_2, %get3A_3, %get3A_4, %get3A_5] : memref<1x96x1x1x224xf32, #tpu.memory_space<vmem>>, vector<1x96x1x1x224xf32>
    %get3A_7 = vector.shape_cast %get3A_6 : vector<1x96x1x1x224xf32> to vector<96x224xf32>
    %get3A_8 = arith.constant 0 : index
    %get3A_9 = arith.constant 0 : index
    %get3A_10 = arith.constant 0 : index
    %get3A_11 = arith.constant 0 : index
    %get3A_12 = arith.constant 0 : index
    %get3A_13 = vector.load %arg3[%get3A_8, %get3A_9, %get3A_10, %get3A_11, %get3A_12] : memref<1x96x1x1x224xf32, #tpu.memory_space<vmem>>, vector<1x96x1x1x224xf32>
    %get3A_14 = vector.shape_cast %get3A_13 : vector<1x96x1x1x224xf32> to vector<96x224xf32>
    %get3A_15 = arith.constant 0 : index
    %get3A_16 = arith.constant 0 : index
    %get3A_17 = arith.constant 0 : index
    %get3A_18 = arith.constant 0 : index
    %get3A_19 = arith.constant 0 : index
    %get3A_20 = vector.load %arg4[%get3A_15, %get3A_16, %get3A_17, %get3A_18, %get3A_19] : memref<1x96x1x1x224xf32, #tpu.memory_space<vmem>>, vector<1x96x1x1x224xf32>
    %get3A_21 = vector.shape_cast %get3A_20 : vector<1x96x1x1x224xf32> to vector<96x224xf32>
    %get3A_22 = arith.constant 0 : index
    %get3A_23 = arith.constant 0 : index
    %get3A_24 = arith.constant 0 : index
    %get3A_25 = arith.constant 0 : index
    %get3A_26 = arith.constant 0 : index
    %get3A_27 = vector.load %arg5[%get3A_22, %get3A_23, %get3A_24, %get3A_25, %get3A_26] : memref<1x96x1x1x224xf32, #tpu.memory_space<vmem>>, vector<1x96x1x1x224xf32>
    %get3A_28 = vector.shape_cast %get3A_27 : vector<1x96x1x1x224xf32> to vector<96x224xf32>
    %get3A_29 = arith.constant 0 : index
    %get3A_30 = arith.constant 0 : index
    %get3A_31 = arith.constant 0 : index
    %get3A_32 = arith.constant 0 : index
    %get3A_33 = arith.constant 0 : index
    %get3A_34 = vector.load %arg6[%get3A_29, %get3A_30, %get3A_31, %get3A_32, %get3A_33] : memref<1x96x1x1x224xf32, #tpu.memory_space<vmem>>, vector<1x96x1x1x224xf32>
    %get3A_35 = vector.shape_cast %get3A_34 : vector<1x96x1x1x224xf32> to vector<96x224xf32>
    %get3A_36 = arith.constant 0 : index
    %get3A_37 = arith.constant 0 : index
    %get3A_38 = arith.constant 0 : index
    %get3A_39 = arith.constant 0 : index
    %get3A_40 = arith.constant 0 : index
    %get3A_41 = vector.load %arg7[%get3A_36, %get3A_37, %get3A_38, %get3A_39, %get3A_40] : memref<1x96x1x1x224xf32, #tpu.memory_space<vmem>>, vector<1x96x1x1x224xf32>
    %get3A_42 = vector.shape_cast %get3A_41 : vector<1x96x1x1x224xf32> to vector<96x224xf32>
    %get3A_43 = arith.constant 0 : index
    %get3A_44 = arith.constant 0 : index
    %get3A_45 = arith.constant 0 : index
    %get3A_46 = arith.constant 0 : index
    %get3A_47 = arith.constant 0 : index
    %get3A_48 = vector.load %arg8[%get3A_43, %get3A_44, %get3A_45, %get3A_46, %get3A_47] : memref<1x96x1x1x224xf32, #tpu.memory_space<vmem>>, vector<1x96x1x1x224xf32>
    %get3A_49 = vector.shape_cast %get3A_48 : vector<1x96x1x1x224xf32> to vector<96x224xf32>
    %get3A_50 = arith.constant 0 : index
    %get3A_51 = arith.constant 0 : index
    %get3A_52 = arith.constant 0 : index
    %get3A_53 = arith.constant 0 : index
    %get3A_54 = arith.constant 0 : index
    %get3A_55 = vector.load %arg9[%get3A_50, %get3A_51, %get3A_52, %get3A_53, %get3A_54] : memref<1x96x1x1x224xf32, #tpu.memory_space<vmem>>, vector<1x96x1x1x224xf32>
    %get3A_56 = vector.shape_cast %get3A_55 : vector<1x96x1x1x224xf32> to vector<96x224xf32>
    %get3A_57 = arith.constant 0 : index
    %get3A_58 = arith.constant 0 : index
    %get3A_59 = arith.constant 0 : index
    %get3A_60 = arith.constant 0 : index
    %get3A_61 = arith.constant 0 : index
    %get3A_62 = vector.load %arg10[%get3A_57, %get3A_58, %get3A_59, %get3A_60, %get3A_61] : memref<1x96x1x1x224xf32, #tpu.memory_space<vmem>>, vector<1x96x1x1x224xf32>
    %get3A_63 = vector.shape_cast %get3A_62 : vector<1x96x1x1x224xf32> to vector<96x224xf32>
    %get3A_64 = arith.constant 0 : index
    %get3A_65 = arith.constant 0 : index
    %get3A_66 = arith.constant 0 : index
    %get3A_67 = arith.constant 0 : index
    %get3A_68 = arith.constant 0 : index
    %get3A_69 = vector.load %arg11[%get3A_64, %get3A_65, %get3A_66, %get3A_67, %get3A_68] : memref<1x96x1x1x224xf32, #tpu.memory_space<vmem>>, vector<1x96x1x1x224xf32>
    %get3A_70 = vector.shape_cast %get3A_69 : vector<1x96x1x1x224xf32> to vector<96x224xf32>
    %get3A_71 = arith.constant 0 : index
    %get3A_72 = arith.constant 0 : index
    %get3A_73 = arith.constant 0 : index
    %get3A_74 = arith.constant 0 : index
    %get3A_75 = arith.constant 0 : index
    %get3A_76 = vector.load %arg12[%get3A_71, %get3A_72, %get3A_73, %get3A_74, %get3A_75] : memref<1x96x1x1x224xf32, #tpu.memory_space<vmem>>, vector<1x96x1x1x224xf32>
    %get3A_77 = vector.shape_cast %get3A_76 : vector<1x96x1x1x224xf32> to vector<96x224xf32>
    %get3A_78 = arith.constant 0 : index
    %get3A_79 = arith.constant 0 : index
    %get3A_80 = arith.constant 0 : index
    %get3A_81 = arith.constant 0 : index
    %get3A_82 = arith.constant 0 : index
    %get3A_83 = vector.load %arg13[%get3A_78, %get3A_79, %get3A_80, %get3A_81, %get3A_82] : memref<1x96x1x1x224xf32, #tpu.memory_space<vmem>>, vector<1x96x1x1x224xf32>
    %get3A_84 = vector.shape_cast %get3A_83 : vector<1x96x1x1x224xf32> to vector<96x224xf32>
    %get3A_85 = arith.constant 0 : index
    %get3A_86 = arith.constant 0 : index
    %get3A_87 = arith.constant 0 : index
    %get3A_88 = arith.constant 0 : index
    %get3A_89 = arith.constant 0 : index
    %get3A_90 = vector.load %arg14[%get3A_85, %get3A_86, %get3A_87, %get3A_88, %get3A_89] : memref<1x96x1x1x224xf32, #tpu.memory_space<vmem>>, vector<1x96x1x1x224xf32>
    %get3A_91 = vector.shape_cast %get3A_90 : vector<1x96x1x1x224xf32> to vector<96x224xf32>
    %get3A_92 = arith.constant 0 : index
    %get3A_93 = arith.constant 0 : index
    %get3A_94 = arith.constant 0 : index
    %get3A_95 = arith.constant 0 : index
    %get3A_96 = arith.constant 0 : index
    %get3A_97 = vector.load %arg15[%get3A_92, %get3A_93, %get3A_94, %get3A_95, %get3A_96] : memref<1x96x1x1x224xf32, #tpu.memory_space<vmem>>, vector<1x96x1x1x224xf32>
    %get3A_98 = vector.shape_cast %get3A_97 : vector<1x96x1x1x224xf32> to vector<96x224xf32>
    %get3A_99 = arith.constant 0 : index
    %get3A_100 = arith.constant 0 : index
    %get3A_101 = arith.constant 0 : index
    %get3A_102 = arith.constant 0 : index
    %get3A_103 = arith.constant 0 : index
    %get3A_104 = vector.load %arg16[%get3A_99, %get3A_100, %get3A_101, %get3A_102, %get3A_103] : memref<1x96x1x1x224xf32, #tpu.memory_space<vmem>>, vector<1x96x1x1x224xf32>
    %get3A_105 = vector.shape_cast %get3A_104 : vector<1x96x1x1x224xf32> to vector<96x224xf32>
    %get3A_106 = arith.constant 0 : index
    %get3A_107 = arith.constant 0 : index
    %get3A_108 = arith.constant 0 : index
    %get3A_109 = arith.constant 0 : index
    %get3A_110 = arith.constant 0 : index
    %get3A_111 = vector.load %arg17[%get3A_106, %get3A_107, %get3A_108, %get3A_109, %get3A_110] : memref<1x96x1x1x224xf32, #tpu.memory_space<vmem>>, vector<1x96x1x1x224xf32>
    %get3A_112 = vector.shape_cast %get3A_111 : vector<1x96x1x1x224xf32> to vector<96x224xf32>
    %get3A_113 = arith.constant 0 : index
    %get3A_114 = arith.constant 0 : index
    %get3A_115 = arith.constant 0 : index
    %get3A_116 = arith.constant 0 : index
    %get3A_117 = arith.constant 0 : index
    %get3A_118 = vector.load %arg18[%get3A_113, %get3A_114, %get3A_115, %get3A_116, %get3A_117] : memref<1x96x1x1x224xf32, #tpu.memory_space<vmem>>, vector<1x96x1x1x224xf32>
    %get3A_119 = vector.shape_cast %get3A_118 : vector<1x96x1x1x224xf32> to vector<96x224xf32>
    %get3A_120 = arith.constant 0 : index
    %get3A_121 = arith.constant 0 : index
    %get3A_122 = arith.constant 0 : index
    %get3A_123 = arith.constant 0 : index
    %get3A_124 = arith.constant 0 : index
    %get3A_125 = vector.load %arg19[%get3A_120, %get3A_121, %get3A_122, %get3A_123, %get3A_124] : memref<1x96x1x1x224xf32, #tpu.memory_space<vmem>>, vector<1x96x1x1x224xf32>
    %get3A_126 = vector.shape_cast %get3A_125 : vector<1x96x1x1x224xf32> to vector<96x224xf32>
    %get3A_127 = arith.constant 0 : index
    %get3A_128 = arith.constant 0 : index
    %get3A_129 = arith.constant 0 : index
    %get3A_130 = arith.constant 0 : index
    %get3A_131 = arith.constant 0 : index
    %get3A_132 = vector.load %arg20[%get3A_127, %get3A_128, %get3A_129, %get3A_130, %get3A_131] : memref<1x96x1x1x224xf32, #tpu.memory_space<vmem>>, vector<1x96x1x1x224xf32>
    %get3A_133 = vector.shape_cast %get3A_132 : vector<1x96x1x1x224xf32> to vector<96x224xf32>
    %get3A_134 = arith.constant 0 : index
    %get3A_135 = arith.constant 0 : index
    %get3A_136 = arith.constant 0 : index
    %get3A_137 = arith.constant 0 : index
    %get3A_138 = arith.constant 0 : index
    %get3A_139 = vector.load %arg21[%get3A_134, %get3A_135, %get3A_136, %get3A_137, %get3A_138] : memref<1x96x1x1x224xf32, #tpu.memory_space<vmem>>, vector<1x96x1x1x224xf32>
    %get3A_140 = vector.shape_cast %get3A_139 : vector<1x96x1x1x224xf32> to vector<96x224xf32>
    %get3A_141 = arith.constant 0 : index
    %get3A_142 = arith.constant 0 : index
    %get3A_143 = arith.constant 0 : index
    %get3A_144 = arith.constant 0 : index
    %get3A_145 = arith.constant 0 : index
    %get3A_146 = vector.load %arg22[%get3A_141, %get3A_142, %get3A_143, %get3A_144, %get3A_145] : memref<1x96x1x1x224xf32, #tpu.memory_space<vmem>>, vector<1x96x1x1x224xf32>
    %get3A_147 = vector.shape_cast %get3A_146 : vector<1x96x1x1x224xf32> to vector<96x224xf32>
    %get3A_148 = arith.constant 0 : index
    %get3A_149 = arith.constant 0 : index
    %get3A_150 = arith.constant 0 : index
    %get3A_151 = arith.constant 0 : index
    %get3A_152 = arith.constant 0 : index
    %get3A_153 = vector.load %arg23[%get3A_148, %get3A_149, %get3A_150, %get3A_151, %get3A_152] : memref<1x96x1x1x224xf32, #tpu.memory_space<vmem>>, vector<1x96x1x1x224xf32>
    %get3A_154 = vector.shape_cast %get3A_153 : vector<1x96x1x1x224xf32> to vector<96x224xf32>
    %get3A_155 = arith.constant 0 : index
    %get3A_156 = arith.constant 0 : index
    %get3A_157 = arith.constant 0 : index
    %get3A_158 = arith.constant 0 : index
    %get3A_159 = arith.constant 0 : index
    %get3A_160 = vector.load %arg24[%get3A_155, %get3A_156, %get3A_157, %get3A_158, %get3A_159] : memref<1x96x1x1x224xf32, #tpu.memory_space<vmem>>, vector<1x96x1x1x224xf32>
    %get3A_161 = vector.shape_cast %get3A_160 : vector<1x96x1x1x224xf32> to vector<96x224xf32>
    %get3A_162 = arith.constant 0 : index
    %get3A_163 = arith.constant 0 : index
    %get3A_164 = arith.constant 0 : index
    %get3A_165 = arith.constant 0 : index
    %get3A_166 = arith.constant 0 : index
    %get3A_167 = vector.load %arg25[%get3A_162, %get3A_163, %get3A_164, %get3A_165, %get3A_166] : memref<1x96x1x1x224xf32, #tpu.memory_space<vmem>>, vector<1x96x1x1x224xf32>
    %get3A_168 = vector.shape_cast %get3A_167 : vector<1x96x1x1x224xf32> to vector<96x224xf32>
    %get3A_169 = arith.constant 0 : index
    %get3A_170 = arith.constant 0 : index
    %get3A_171 = arith.constant 0 : index
    %get3A_172 = arith.constant 0 : index
    %get3A_173 = arith.constant 0 : index
    %get3A_174 = vector.load %arg26[%get3A_169, %get3A_170, %get3A_171, %get3A_172, %get3A_173] : memref<1x96x1x1x224xf32, #tpu.memory_space<vmem>>, vector<1x96x1x1x224xf32>
    %get3A_175 = vector.shape_cast %get3A_174 : vector<1x96x1x1x224xf32> to vector<96x224xf32>
    %get3A_176 = arith.constant 0 : index
    %get3A_177 = arith.constant 0 : index
    %get3A_178 = arith.constant 0 : index
    %get3A_179 = arith.constant 0 : index
    %get3A_180 = arith.constant 0 : index
    %get3A_181 = vector.load %arg27[%get3A_176, %get3A_177, %get3A_178, %get3A_179, %get3A_180] : memref<1x96x1x1x224xf32, #tpu.memory_space<vmem>>, vector<1x96x1x1x224xf32>
    %get3A_182 = vector.shape_cast %get3A_181 : vector<1x96x1x1x224xf32> to vector<96x224xf32>
    %get3A_183 = arith.constant 0 : index
    %get3A_184 = arith.constant 0 : index
    %get3A_185 = arith.constant 0 : index
    %get3A_186 = arith.constant 0 : index
    %get3A_187 = arith.constant 0 : index
    %get3A_188 = vector.load %arg28[%get3A_183, %get3A_184, %get3A_185, %get3A_186, %get3A_187] : memref<1x96x1x1x224xf32, #tpu.memory_space<vmem>>, vector<1x96x1x1x224xf32>
    %get3A_189 = vector.shape_cast %get3A_188 : vector<1x96x1x1x224xf32> to vector<96x224xf32>
    %get3A_190 = arith.constant 0 : index
    %get3A_191 = arith.constant 0 : index
    %get3A_192 = arith.constant 0 : index
    %get3A_193 = arith.constant 0 : index
    %get3A_194 = arith.constant 0 : index
    %get3A_195 = vector.load %arg29[%get3A_190, %get3A_191, %get3A_192, %get3A_193, %get3A_194] : memref<1x96x1x1x224xf32, #tpu.memory_space<vmem>>, vector<1x96x1x1x224xf32>
    %get3A_196 = vector.shape_cast %get3A_195 : vector<1x96x1x1x224xf32> to vector<96x224xf32>
    %get3A_197 = arith.constant 0 : index
    %get3A_198 = arith.constant 0 : index
    %get3A_199 = arith.constant 0 : index
    %get3A_200 = arith.constant 0 : index
    %get3A_201 = arith.constant 0 : index
    %get3A_202 = vector.load %arg30[%get3A_197, %get3A_198, %get3A_199, %get3A_200, %get3A_201] : memref<1x96x1x1x224xf32, #tpu.memory_space<vmem>>, vector<1x96x1x1x224xf32>
    %get3A_203 = vector.shape_cast %get3A_202 : vector<1x96x1x1x224xf32> to vector<96x224xf32>
    %get3A_204 = arith.constant 0 : index
    %get3A_205 = arith.constant 0 : index
    %get3A_206 = arith.constant 0 : index
    %get3A_207 = arith.constant 0 : index
    %get3A_208 = arith.constant 0 : index
    %get3A_209 = vector.load %arg31[%get3A_204, %get3A_205, %get3A_206, %get3A_207, %get3A_208] : memref<1x96x1x1x224xf32, #tpu.memory_space<vmem>>, vector<1x96x1x1x224xf32>
    %get3A_210 = vector.shape_cast %get3A_209 : vector<1x96x1x1x224xf32> to vector<96x224xf32>
    %get3A_211 = arith.constant 0 : index
    %get3A_212 = arith.constant 0 : index
    %get3A_213 = arith.constant 0 : index
    %get3A_214 = arith.constant 0 : index
    %get3A_215 = arith.constant 0 : index
    %get3A_216 = vector.load %arg32[%get3A_211, %get3A_212, %get3A_213, %get3A_214, %get3A_215] : memref<1x96x1x1x224xf32, #tpu.memory_space<vmem>>, vector<1x96x1x1x224xf32>
    %get3A_217 = vector.shape_cast %get3A_216 : vector<1x96x1x1x224xf32> to vector<96x224xf32>
    %get3A_218 = arith.constant 0 : index
    %get3A_219 = arith.constant 0 : index
    %get3A_220 = arith.constant 0 : index
    %get3A_221 = arith.constant 0 : index
    %get3A_222 = arith.constant 0 : index
    %get3A_223 = vector.load %arg33[%get3A_218, %get3A_219, %get3A_220, %get3A_221, %get3A_222] : memref<1x96x1x1x224xf32, #tpu.memory_space<vmem>>, vector<1x96x1x1x224xf32>
    %get3A_224 = vector.shape_cast %get3A_223 : vector<1x96x1x1x224xf32> to vector<96x224xf32>
    %get3A_225 = arith.constant 0 : index
    %get3A_226 = arith.constant 0 : index
    %get3A_227 = arith.constant 0 : index
    %get3A_228 = arith.constant 0 : index
    %get3A_229 = arith.constant 0 : index
    %get3A_230 = vector.load %arg34[%get3A_225, %get3A_226, %get3A_227, %get3A_228, %get3A_229] : memref<1x96x1x1x224xf32, #tpu.memory_space<vmem>>, vector<1x96x1x1x224xf32>
    %get3A_231 = vector.shape_cast %get3A_230 : vector<1x96x1x1x224xf32> to vector<96x224xf32>
    %mul3A = vector.broadcast %select_n3A : f32 to vector<96x224xf32>
    %mul3A_232 = arith.mulf %get3A_7, %mul3A : vector<96x224xf32>
    %concatenate3A = tpu.concatenate %mul3A_232, %get3A_14, %get3A_21, %get3A_21, %get3A_28, %get3A_35, %get3A_35, %get3A_42, %get3A_49, %get3A_49, %get3A_56, %get3A_63, %get3A_63, %get3A_70, %get3A_77, %get3A_77, %get3A_84, %get3A_91, %get3A_91, %get3A_98, %get3A_105, %get3A_105, %get3A_112, %get3A_119, %get3A_119, %get3A_126, %get3A_133, %get3A_133, %get3A_140, %get3A_147, %get3A_147, %get3A_154, %get3A_161, %get3A_161, %get3A_168, %get3A_175, %get3A_175, %get3A_182, %get3A_189, %get3A_189, %get3A_196, %get3A_203, %get3A_203, %get3A_210, %get3A_217, %get3A_217, %get3A_224, %get3A_231 in 0 : vector<96x224xf32>, vector<96x224xf32>, vector<96x224xf32>, vector<96x224xf32>, vector<96x224xf32>, vector<96x224xf32>, vector<96x224xf32>, vector<96x224xf32>, vector<96x224xf32>, vector<96x224xf32>, vector<96x224xf32>, vector<96x224xf32>, vector<96x224xf32>, vector<96x224xf32>, vector<96x224xf32>, vector<96x224xf32>, vector<96x224xf32>, vector<96x224xf32>, vector<96x224xf32>, vector<96x224xf32>, vector<96x224xf32>, vector<96x224xf32>, vector<96x224xf32>, vector<96x224xf32>, vector<96x224xf32>, vector<96x224xf32>, vector<96x224xf32>, vector<96x224xf32>, vector<96x224xf32>, vector<96x224xf32>, vector<96x224xf32>, vector<96x224xf32>, vector<96x224xf32>, vector<96x224xf32>, vector<96x224xf32>, vector<96x224xf32>, vector<96x224xf32>, vector<96x224xf32>, vector<96x224xf32>, vector<96x224xf32>, vector<96x224xf32>, vector<96x224xf32>, vector<96x224xf32>, vector<96x224xf32>, vector<96x224xf32>, vector<96x224xf32>, vector<96x224xf32>, vector<96x224xf32> -> vector<4608x224xf32>
    %get3A_233 = arith.constant 0 : index
    %get3A_234 = arith.constant 0 : index
    %get3A_235 = vector.load %arg35[%get3A_233, %get3A_234] : memref<224x256xf32, #tpu.memory_space<vmem>>, vector<224x256xf32>
    %dot_general3A = arith.constant dense<0.000000e+00> : vector<4608x256xf32>
    %dot_general3A_236 = tpu.matmul %concatenate3A, %get3A_235, %dot_general3A {dimension_numbers = #tpu.dot_dimension_numbers<[1], [0], [0], [1], [0, 0, 1, 1], [], []>, transpose_lhs_hint = false} : vector<4608x224xf32>, vector<224x256xf32>, vector<4608x256xf32> -> vector<4608x256xf32>
    %slice3A = vector.extract_strided_slice %dot_general3A_236 {offsets = [0, 0], sizes = [288, 112], strides = [1, 1]} : vector<4608x256xf32> to vector<288x112xf32>
    %slice3A_237 = vector.extract_strided_slice %dot_general3A_236 {offsets = [0, 128], sizes = [288, 112], strides = [1, 1]} : vector<4608x256xf32> to vector<288x112xf32>
    %get3A_238 = arith.constant 0 : index
    %get3A_239 = arith.constant 0 : index
    %get3A_240 = arith.constant 0 : index
    %get3A_241 = vector.load %arg36[%get3A_238, %get3A_239, %get3A_240] : memref<3x96x288xf32, #tpu.memory_space<vmem>>, vector<1x96x288xf32>
    %get3A_242 = vector.shape_cast %get3A_241 : vector<1x96x288xf32> to vector<96x288xf32>
    %dot_general3A_243 = arith.constant dense<0.000000e+00> : vector<96x112xf32>
    %dot_general3A_244 = tpu.matmul %get3A_242, %slice3A_237, %dot_general3A_243 {dimension_numbers = #tpu.dot_dimension_numbers<[1], [0], [0], [1], [0, 0, 1, 1], [], []>, transpose_lhs_hint = false} : vector<96x288xf32>, vector<288x112xf32>, vector<96x112xf32> -> vector<96x112xf32>
    %get3A_245 = arith.constant 1 : index
    %get3A_246 = arith.constant 0 : index
    %get3A_247 = arith.constant 0 : index
    %get3A_248 = vector.load %arg36[%get3A_245, %get3A_246, %get3A_247] : memref<3x96x288xf32, #tpu.memory_space<vmem>>, vector<1x96x288xf32>
    %get3A_249 = vector.shape_cast %get3A_248 : vector<1x96x288xf32> to vector<96x288xf32>
    %dot_general3A_250 = arith.constant dense<0.000000e+00> : vector<96x112xf32>
    %dot_general3A_251 = tpu.matmul %get3A_249, %slice3A, %dot_general3A_250 {dimension_numbers = #tpu.dot_dimension_numbers<[1], [0], [0], [1], [0, 0, 1, 1], [], []>, transpose_lhs_hint = false} : vector<96x288xf32>, vector<288x112xf32>, vector<96x112xf32> -> vector<96x112xf32>
    %get3A_252 = arith.constant 2 : index
    %get3A_253 = arith.constant 0 : index
    %get3A_254 = arith.constant 0 : index
    %get3A_255 = vector.load %arg36[%get3A_252, %get3A_253, %get3A_254] : memref<3x96x288xf32, #tpu.memory_space<vmem>>, vector<1x96x288xf32>
    %get3A_256 = vector.shape_cast %get3A_255 : vector<1x96x288xf32> to vector<96x288xf32>
    %dot_general3A_257 = arith.constant dense<0.000000e+00> : vector<96x112xf32>
    %dot_general3A_258 = tpu.matmul %get3A_256, %slice3A_237, %dot_general3A_257 {dimension_numbers = #tpu.dot_dimension_numbers<[1], [0], [0], [1], [0, 0, 1, 1], [], []>, transpose_lhs_hint = false} : vector<96x288xf32>, vector<288x112xf32>, vector<96x112xf32> -> vector<96x112xf32>
    %jit3A_259 = arith.constant 0 : i32
    %convert_element_type3A = arith.sitofp %jit3A_259 : i32 to f32
    %pad3A = vector.broadcast %convert_element_type3A : f32 to vector<96x1xf32>
    %pad3A_260 = tpu.concatenate %pad3A, %dot_general3A_244 in 1 : vector<96x1xf32>, vector<96x112xf32> -> vector<96x113xf32>
    %slice3A_261 = vector.extract_strided_slice %pad3A_260 {offsets = [0, 0], sizes = [96, 112], strides = [1, 1]} : vector<96x113xf32> to vector<96x112xf32>
    %add3A = arith.addf %dot_general3A_251, %dot_general3A_258 : vector<96x112xf32>
    %add3A_262 = arith.addf %add3A, %slice3A_261 : vector<96x112xf32>
    %get3A_263 = arith.constant 0 : index
    %get3A_264 = arith.constant 0 : index
    %get3A_265 = vector.load %arg37[%get3A_263, %get3A_264] : memref<96x1xf32, #tpu.memory_space<vmem>>, vector<96x1xf32>
    %add3A_266 = vector.broadcast %get3A_265 : vector<96x1xf32> to vector<96x112xf32>
    %add3A_267 = arith.addf %add3A_262, %add3A_266 : vector<96x112xf32>
    %swap3A = arith.constant 0 : index
    %swap3A_268 = arith.constant 0 : index
    %swap3A_269 = arith.constant 0 : index
    %swap3A_270 = arith.constant 0 : index
    %swap3A_271 = arith.constant 0 : index
    %swap3A_272 = vector.load %arg38[%swap3A, %swap3A_268, %swap3A_269, %swap3A_270, %swap3A_271] : memref<1x96x16x1x112xf32, #tpu.memory_space<vmem>>, vector<1x96x1x1x112xf32>
    %swap3A_273 = vector.shape_cast %swap3A_272 : vector<1x96x1x1x112xf32> to vector<96x112xf32>
    %swap3A_274 = vector.shape_cast %add3A_267 : vector<96x112xf32> to vector<1x96x1x1x112xf32>
    tpu.vector_store %arg38[%swap3A, %swap3A_268, %swap3A_269, %swap3A_270, %swap3A_271], %swap3A_274 {strides = array<i32>} : memref<1x96x16x1x112xf32, #tpu.memory_space<vmem>>, vector<1x96x1x1x112xf32>,
    %slice3A_275 = vector.extract_strided_slice %dot_general3A_236 {offsets = [288, 0], sizes = [288, 112], strides = [1, 1]} : vector<4608x256xf32> to vector<288x112xf32>
    %slice3A_276 = vector.extract_strided_slice %dot_general3A_236 {offsets = [288, 128], sizes = [288, 112], strides = [1, 1]} : vector<4608x256xf32> to vector<288x112xf32>
    %get3A_277 = arith.constant 0 : index
    %get3A_278 = arith.constant 0 : index
    %get3A_279 = arith.constant 0 : index
    %get3A_280 = vector.load %arg36[%get3A_277, %get3A_278, %get3A_279] : memref<3x96x288xf32, #tpu.memory_space<vmem>>, vector<1x96x288xf32>
    %get3A_281 = vector.shape_cast %get3A_280 : vector<1x96x288xf32> to vector<96x288xf32>
    %dot_general3A_282 = arith.constant dense<0.000000e+00> : vector<96x112xf32>
    %dot_general3A_283 = tpu.matmul %get3A_281, %slice3A_276, %dot_general3A_282 {dimension_numbers = #tpu.dot_dimension_numbers<[1], [0], [0], [1], [0, 0, 1, 1], [], []>, transpose_lhs_hint = false} : vector<96x288xf32>, vector<288x112xf32>, vector<96x112xf32> -> vector<96x112xf32>
    %get3A_284 = arith.constant 1 : index
    %get3A_285 = arith.constant 0 : index
    %get3A_286 = arith.constant 0 : index
    %get3A_287 = vector.load %arg36[%get3A_284, %get3A_285, %get3A_286] : memref<3x96x288xf32, #tpu.memory_space<vmem>>, vector<1x96x288xf32>
    %get3A_288 = vector.shape_cast %get3A_287 : vector<1x96x288xf32> to vector<96x288xf32>
    %dot_general3A_289 = arith.constant dense<0.000000e+00> : vector<96x112xf32>
    %dot_general3A_290 = tpu.matmul %get3A_288, %slice3A_275, %dot_general3A_289 {dimension_numbers = #tpu.dot_dimension_numbers<[1], [0], [0], [1], [0, 0, 1, 1], [], []>, transpose_lhs_hint = false} : vector<96x288xf32>, vector<288x112xf32>, vector<96x112xf32> -> vector<96x112xf32>
    %get3A_291 = arith.constant 2 : index
    %get3A_292 = arith.constant 0 : index
    %get3A_293 = arith.constant 0 : index
    %get3A_294 = vector.load %arg36[%get3A_291, %get3A_292, %get3A_293] : memref<3x96x288xf32, #tpu.memory_space<vmem>>, vector<1x96x288xf32>
    %get3A_295 = vector.shape_cast %get3A_294 : vector<1x96x288xf32> to vector<96x288xf32>
    %dot_general3A_296 = arith.constant dense<0.000000e+00> : vector<96x112xf32>
    %dot_general3A_297 = tpu.matmul %get3A_295, %slice3A_276, %dot_general3A_296 {dimension_numbers = #tpu.dot_dimension_numbers<[1], [0], [0], [1], [0, 0, 1, 1], [], []>, transpose_lhs_hint = false} : vector<96x288xf32>, vector<288x112xf32>, vector<96x112xf32> -> vector<96x112xf32>
    %jit3A_298 = arith.constant 0 : i32
    %convert_element_type3A_299 = arith.sitofp %jit3A_298 : i32 to f32
    %pad3A_300 = vector.broadcast %convert_element_type3A_299 : f32 to vector<96x1xf32>
    %pad3A_301 = tpu.concatenate %pad3A_300, %dot_general3A_283 in 1 : vector<96x1xf32>, vector<96x112xf32> -> vector<96x113xf32>
    %slice3A_302 = vector.extract_strided_slice %pad3A_301 {offsets = [0, 0], sizes = [96, 112], strides = [1, 1]} : vector<96x113xf32> to vector<96x112xf32>
    %add3A_303 = arith.addf %dot_general3A_290, %dot_general3A_297 : vector<96x112xf32>
    %add3A_304 = arith.addf %add3A_303, %slice3A_302 : vector<96x112xf32>
    %get3A_305 = arith.constant 0 : index
    %get3A_306 = arith.constant 0 : index
    %get3A_307 = vector.load %arg37[%get3A_305, %get3A_306] : memref<96x1xf32, #tpu.memory_space<vmem>>, vector<96x1xf32>
    %add3A_308 = vector.broadcast %get3A_307 : vector<96x1xf32> to vector<96x112xf32>
    %add3A_309 = arith.addf %add3A_304, %add3A_308 : vector<96x112xf32>
    %swap3A_310 = arith.constant 0 : index
    %swap3A_311 = arith.constant 0 : index
    %swap3A_312 = arith.constant 1 : index
    %swap3A_313 = arith.constant 0 : index
    %swap3A_314 = arith.constant 0 : index
    %swap3A_315 = vector.load %arg38[%swap3A_310, %swap3A_311, %swap3A_312, %swap3A_313, %swap3A_314] : memref<1x96x16x1x112xf32, #tpu.memory_space<vmem>>, vector<1x96x1x1x112xf32>
    %swap3A_316 = vector.shape_cast %swap3A_315 : vector<1x96x1x1x112xf32> to vector<96x112xf32>
    %swap3A_317 = vector.shape_cast %add3A_309 : vector<96x112xf32> to vector<1x96x1x1x112xf32>
    tpu.vector_store %arg38[%swap3A_310, %swap3A_311, %swap3A_312, %swap3A_313, %swap3A_314], %swap3A_317 {strides = array<i32>} : memref<1x96x16x1x112xf32, #tpu.memory_space<vmem>>, vector<1x96x1x1x112xf32>,
    %slice3A_318 = vector.extract_strided_slice %dot_general3A_236 {offsets = [576, 0], sizes = [288, 112], strides = [1, 1]} : vector<4608x256xf32> to vector<288x112xf32>
    %slice3A_319 = vector.extract_strided_slice %dot_general3A_236 {offsets = [576, 128], sizes = [288, 112], strides = [1, 1]} : vector<4608x256xf32> to vector<288x112xf32>
    %get3A_320 = arith.constant 0 : index
    %get3A_321 = arith.constant 0 : index
    %get3A_322 = arith.constant 0 : index
    %get3A_323 = vector.load %arg36[%get3A_320, %get3A_321, %get3A_322] : memref<3x96x288xf32, #tpu.memory_space<vmem>>, vector<1x96x288xf32>
    %get3A_324 = vector.shape_cast %get3A_323 : vector<1x96x288xf32> to vector<96x288xf32>
    %dot_general3A_325 = arith.constant dense<0.000000e+00> : vector<96x112xf32>
    %dot_general3A_326 = tpu.matmul %get3A_324, %slice3A_319, %dot_general3A_325 {dimension_numbers = #tpu.dot_dimension_numbers<[1], [0], [0], [1], [0, 0, 1, 1], [], []>, transpose_lhs_hint = false} : vector<96x288xf32>, vector<288x112xf32>, vector<96x112xf32> -> vector<96x112xf32>
    %get3A_327 = arith.constant 1 : index
    %get3A_328 = arith.constant 0 : index
    %get3A_329 = arith.constant 0 : index
    %get3A_330 = vector.load %arg36[%get3A_327, %get3A_328, %get3A_329] : memref<3x96x288xf32, #tpu.memory_space<vmem>>, vector<1x96x288xf32>
    %get3A_331 = vector.shape_cast %get3A_330 : vector<1x96x288xf32> to vector<96x288xf32>
    %dot_general3A_332 = arith.constant dense<0.000000e+00> : vector<96x112xf32>
    %dot_general3A_333 = tpu.matmul %get3A_331, %slice3A_318, %dot_general3A_332 {dimension_numbers = #tpu.dot_dimension_numbers<[1], [0], [0], [1], [0, 0, 1, 1], [], []>, transpose_lhs_hint = false} : vector<96x288xf32>, vector<288x112xf32>, vector<96x112xf32> -> vector<96x112xf32>
    %get3A_334 = arith.constant 2 : index
    %get3A_335 = arith.constant 0 : index
    %get3A_336 = arith.constant 0 : index
    %get3A_337 = vector.load %arg36[%get3A_334, %get3A_335, %get3A_336] : memref<3x96x288xf32, #tpu.memory_space<vmem>>, vector<1x96x288xf32>
    %get3A_338 = vector.shape_cast %get3A_337 : vector<1x96x288xf32> to vector<96x288xf32>
    %dot_general3A_339 = arith.constant dense<0.000000e+00> : vector<96x112xf32>
    %dot_general3A_340 = tpu.matmul %get3A_338, %slice3A_319, %dot_general3A_339 {dimension_numbers = #tpu.dot_dimension_numbers<[1], [0], [0], [1], [0, 0, 1, 1], [], []>, transpose_lhs_hint = false} : vector<96x288xf32>, vector<288x112xf32>, vector<96x112xf32> -> vector<96x112xf32>
    %jit3A_341 = arith.constant 0 : i32
    %convert_element_type3A_342 = arith.sitofp %jit3A_341 : i32 to f32
    %pad3A_343 = vector.broadcast %convert_element_type3A_342 : f32 to vector<96x1xf32>
    %pad3A_344 = tpu.concatenate %pad3A_343, %dot_general3A_326 in 1 : vector<96x1xf32>, vector<96x112xf32> -> vector<96x113xf32>
    %slice3A_345 = vector.extract_strided_slice %pad3A_344 {offsets = [0, 0], sizes = [96, 112], strides = [1, 1]} : vector<96x113xf32> to vector<96x112xf32>
    %add3A_346 = arith.addf %dot_general3A_333, %dot_general3A_340 : vector<96x112xf32>
    %add3A_347 = arith.addf %add3A_346, %slice3A_345 : vector<96x112xf32>
    %get3A_348 = arith.constant 0 : index
    %get3A_349 = arith.constant 0 : index
    %get3A_350 = vector.load %arg37[%get3A_348, %get3A_349] : memref<96x1xf32, #tpu.memory_space<vmem>>, vector<96x1xf32>
    %add3A_351 = vector.broadcast %get3A_350 : vector<96x1xf32> to vector<96x112xf32>
    %add3A_352 = arith.addf %add3A_347, %add3A_351 : vector<96x112xf32>
    %swap3A_353 = arith.constant 0 : index
    %swap3A_354 = arith.constant 0 : index
    %swap3A_355 = arith.constant 2 : index
    %swap3A_356 = arith.constant 0 : index
    %swap3A_357 = arith.constant 0 : index
    %swap3A_358 = vector.load %arg38[%swap3A_353, %swap3A_354, %swap3A_355, %swap3A_356, %swap3A_357] : memref<1x96x16x1x112xf32, #tpu.memory_space<vmem>>, vector<1x96x1x1x112xf32>
    %swap3A_359 = vector.shape_cast %swap3A_358 : vector<1x96x1x1x112xf32> to vector<96x112xf32>
    %swap3A_360 = vector.shape_cast %add3A_352 : vector<96x112xf32> to vector<1x96x1x1x112xf32>
    tpu.vector_store %arg38[%swap3A_353, %swap3A_354, %swap3A_355, %swap3A_356, %swap3A_357], %swap3A_360 {strides = array<i32>} : memref<1x96x16x1x112xf32, #tpu.memory_space<vmem>>, vector<1x96x1x1x112xf32>,
    %slice3A_361 = vector.extract_strided_slice %dot_general3A_236 {offsets = [864, 0], sizes = [288, 112], strides = [1, 1]} : vector<4608x256xf32> to vector<288x112xf32>
    %slice3A_362 = vector.extract_strided_slice %dot_general3A_236 {offsets = [864, 128], sizes = [288, 112], strides = [1, 1]} : vector<4608x256xf32> to vector<288x112xf32>
    %get3A_363 = arith.constant 0 : index
    %get3A_364 = arith.constant 0 : index
    %get3A_365 = arith.constant 0 : index
    %get3A_366 = vector.load %arg36[%get3A_363, %get3A_364, %get3A_365] : memref<3x96x288xf32, #tpu.memory_space<vmem>>, vector<1x96x288xf32>
    %get3A_367 = vector.shape_cast %get3A_366 : vector<1x96x288xf32> to vector<96x288xf32>
    %dot_general3A_368 = arith.constant dense<0.000000e+00> : vector<96x112xf32>
    %dot_general3A_369 = tpu.matmul %get3A_367, %slice3A_362, %dot_general3A_368 {dimension_numbers = #tpu.dot_dimension_numbers<[1], [0], [0], [1], [0, 0, 1, 1], [], []>, transpose_lhs_hint = false} : vector<96x288xf32>, vector<288x112xf32>, vector<96x112xf32> -> vector<96x112xf32>
    %get3A_370 = arith.constant 1 : index
    %get3A_371 = arith.constant 0 : index
    %get3A_372 = arith.constant 0 : index
    %get3A_373 = vector.load %arg36[%get3A_370, %get3A_371, %get3A_372] : memref<3x96x288xf32, #tpu.memory_space<vmem>>, vector<1x96x288xf32>
    %get3A_374 = vector.shape_cast %get3A_373 : vector<1x96x288xf32> to vector<96x288xf32>
    %dot_general3A_375 = arith.constant dense<0.000000e+00> : vector<96x112xf32>
    %dot_general3A_376 = tpu.matmul %get3A_374, %slice3A_361, %dot_general3A_375 {dimension_numbers = #tpu.dot_dimension_numbers<[1], [0], [0], [1], [0, 0, 1, 1], [], []>, transpose_lhs_hint = false} : vector<96x288xf32>, vector<288x112xf32>, vector<96x112xf32> -> vector<96x112xf32>
    %get3A_377 = arith.constant 2 : index
    %get3A_378 = arith.constant 0 : index
    %get3A_379 = arith.constant 0 : index
    %get3A_380 = vector.load %arg36[%get3A_377, %get3A_378, %get3A_379] : memref<3x96x288xf32, #tpu.memory_space<vmem>>, vector<1x96x288xf32>
    %get3A_381 = vector.shape_cast %get3A_380 : vector<1x96x288xf32> to vector<96x288xf32>
    %dot_general3A_382 = arith.constant dense<0.000000e+00> : vector<96x112xf32>
    %dot_general3A_383 = tpu.matmul %get3A_381, %slice3A_362, %dot_general3A_382 {dimension_numbers = #tpu.dot_dimension_numbers<[1], [0], [0], [1], [0, 0, 1, 1], [], []>, transpose_lhs_hint = false} : vector<96x288xf32>, vector<288x112xf32>, vector<96x112xf32> -> vector<96x112xf32>
    %jit3A_384 = arith.constant 0 : i32
    %convert_element_type3A_385 = arith.sitofp %jit3A_384 : i32 to f32
    %pad3A_386 = vector.broadcast %convert_element_type3A_385 : f32 to vector<96x1xf32>
    %pad3A_387 = tpu.concatenate %pad3A_386, %dot_general3A_369 in 1 : vector<96x1xf32>, vector<96x112xf32> -> vector<96x113xf32>
    %slice3A_388 = vector.extract_strided_slice %pad3A_387 {offsets = [0, 0], sizes = [96, 112], strides = [1, 1]} : vector<96x113xf32> to vector<96x112xf32>
    %add3A_389 = arith.addf %dot_general3A_376, %dot_general3A_383 : vector<96x112xf32>
    %add3A_390 = arith.addf %add3A_389, %slice3A_388 : vector<96x112xf32>
    %get3A_391 = arith.constant 0 : index
    %get3A_392 = arith.constant 0 : index
    %get3A_393 = vector.load %arg37[%get3A_391, %get3A_392] : memref<96x1xf32, #tpu.memory_space<vmem>>, vector<96x1xf32>
    %add3A_394 = vector.broadcast %get3A_393 : vector<96x1xf32> to vector<96x112xf32>
    %add3A_395 = arith.addf %add3A_390, %add3A_394 : vector<96x112xf32>
    %swap3A_396 = arith.constant 0 : index
    %swap3A_397 = arith.constant 0 : index
    %swap3A_398 = arith.constant 3 : index
    %swap3A_399 = arith.constant 0 : index
    %swap3A_400 = arith.constant 0 : index
    %swap3A_401 = vector.load %arg38[%swap3A_396, %swap3A_397, %swap3A_398, %swap3A_399, %swap3A_400] : memref<1x96x16x1x112xf32, #tpu.memory_space<vmem>>, vector<1x96x1x1x112xf32>
    %swap3A_402 = vector.shape_cast %swap3A_401 : vector<1x96x1x1x112xf32> to vector<96x112xf32>
    %swap3A_403 = vector.shape_cast %add3A_395 : vector<96x112xf32> to vector<1x96x1x1x112xf32>
    tpu.vector_store %arg38[%swap3A_396, %swap3A_397, %swap3A_398, %swap3A_399, %swap3A_400], %swap3A_403 {strides = array<i32>} : memref<1x96x16x1x112xf32, #tpu.memory_space<vmem>>, vector<1x96x1x1x112xf32>,
    %slice3A_404 = vector.extract_strided_slice %dot_general3A_236 {offsets = [1152, 0], sizes = [288, 112], strides = [1, 1]} : vector<4608x256xf32> to vector<288x112xf32>
    %slice3A_405 = vector.extract_strided_slice %dot_general3A_236 {offsets = [1152, 128], sizes = [288, 112], strides = [1, 1]} : vector<4608x256xf32> to vector<288x112xf32>
    %get3A_406 = arith.constant 0 : index
    %get3A_407 = arith.constant 0 : index
    %get3A_408 = arith.constant 0 : index
    %get3A_409 = vector.load %arg36[%get3A_406, %get3A_407, %get3A_408] : memref<3x96x288xf32, #tpu.memory_space<vmem>>, vector<1x96x288xf32>
    %get3A_410 = vector.shape_cast %get3A_409 : vector<1x96x288xf32> to vector<96x288xf32>
    %dot_general3A_411 = arith.constant dense<0.000000e+00> : vector<96x112xf32>
    %dot_general3A_412 = tpu.matmul %get3A_410, %slice3A_405, %dot_general3A_411 {dimension_numbers = #tpu.dot_dimension_numbers<[1], [0], [0], [1], [0, 0, 1, 1], [], []>, transpose_lhs_hint = false} : vector<96x288xf32>, vector<288x112xf32>, vector<96x112xf32> -> vector<96x112xf32>
    %get3A_413 = arith.constant 1 : index
    %get3A_414 = arith.constant 0 : index
    %get3A_415 = arith.constant 0 : index
    %get3A_416 = vector.load %arg36[%get3A_413, %get3A_414, %get3A_415] : memref<3x96x288xf32, #tpu.memory_space<vmem>>, vector<1x96x288xf32>
    %get3A_417 = vector.shape_cast %get3A_416 : vector<1x96x288xf32> to vector<96x288xf32>
    %dot_general3A_418 = arith.constant dense<0.000000e+00> : vector<96x112xf32>
    %dot_general3A_419 = tpu.matmul %get3A_417, %slice3A_404, %dot_general3A_418 {dimension_numbers = #tpu.dot_dimension_numbers<[1], [0], [0], [1], [0, 0, 1, 1], [], []>, transpose_lhs_hint = false} : vector<96x288xf32>, vector<288x112xf32>, vector<96x112xf32> -> vector<96x112xf32>
    %get3A_420 = arith.constant 2 : index
    %get3A_421 = arith.constant 0 : index
    %get3A_422 = arith.constant 0 : index
    %get3A_423 = vector.load %arg36[%get3A_420, %get3A_421, %get3A_422] : memref<3x96x288xf32, #tpu.memory_space<vmem>>, vector<1x96x288xf32>
    %get3A_424 = vector.shape_cast %get3A_423 : vector<1x96x288xf32> to vector<96x288xf32>
    %dot_general3A_425 = arith.constant dense<0.000000e+00> : vector<96x112xf32>
    %dot_general3A_426 = tpu.matmul %get3A_424, %slice3A_405, %dot_general3A_425 {dimension_numbers = #tpu.dot_dimension_numbers<[1], [0], [0], [1], [0, 0, 1, 1], [], []>, transpose_lhs_hint = false} : vector<96x288xf32>, vector<288x112xf32>, vector<96x112xf32> -> vector<96x112xf32>
    %jit3A_427 = arith.constant 0 : i32
    %convert_element_type3A_428 = arith.sitofp %jit3A_427 : i32 to f32
    %pad3A_429 = vector.broadcast %convert_element_type3A_428 : f32 to vector<96x1xf32>
    %pad3A_430 = tpu.concatenate %pad3A_429, %dot_general3A_412 in 1 : vector<96x1xf32>, vector<96x112xf32> -> vector<96x113xf32>
    %slice3A_431 = vector.extract_strided_slice %pad3A_430 {offsets = [0, 0], sizes = [96, 112], strides = [1, 1]} : vector<96x113xf32> to vector<96x112xf32>
    %add3A_432 = arith.addf %dot_general3A_419, %dot_general3A_426 : vector<96x112xf32>
    %add3A_433 = arith.addf %add3A_432, %slice3A_431 : vector<96x112xf32>
    %get3A_434 = arith.constant 0 : index
    %get3A_435 = arith.constant 0 : index
    %get3A_436 = vector.load %arg37[%get3A_434, %get3A_435] : memref<96x1xf32, #tpu.memory_space<vmem>>, vector<96x1xf32>
    %add3A_437 = vector.broadcast %get3A_436 : vector<96x1xf32> to vector<96x112xf32>
    %add3A_438 = arith.addf %add3A_433, %add3A_437 : vector<96x112xf32>
    %swap3A_439 = arith.constant 0 : index
    %swap3A_440 = arith.constant 0 : index
    %swap3A_441 = arith.constant 4 : index
    %swap3A_442 = arith.constant 0 : index
    %swap3A_443 = arith.constant 0 : index
    %swap3A_444 = vector.load %arg38[%swap3A_439, %swap3A_440, %swap3A_441, %swap3A_442, %swap3A_443] : memref<1x96x16x1x112xf32, #tpu.memory_space<vmem>>, vector<1x96x1x1x112xf32>
    %swap3A_445 = vector.shape_cast %swap3A_444 : vector<1x96x1x1x112xf32> to vector<96x112xf32>
    %swap3A_446 = vector.shape_cast %add3A_438 : vector<96x112xf32> to vector<1x96x1x1x112xf32>
    tpu.vector_store %arg38[%swap3A_439, %swap3A_440, %swap3A_441, %swap3A_442, %swap3A_443], %swap3A_446 {strides = array<i32>} : memref<1x96x16x1x112xf32, #tpu.memory_space<vmem>>, vector<1x96x1x1x112xf32>,
    %slice3A_447 = vector.extract_strided_slice %dot_general3A_236 {offsets = [1440, 0], sizes = [288, 112], strides = [1, 1]} : vector<4608x256xf32> to vector<288x112xf32>
    %slice3A_448 = vector.extract_strided_slice %dot_general3A_236 {offsets = [1440, 128], sizes = [288, 112], strides = [1, 1]} : vector<4608x256xf32> to vector<288x112xf32>
    %get3A_449 = arith.constant 0 : index
    %get3A_450 = arith.constant 0 : index
    %get3A_451 = arith.constant 0 : index
    %get3A_452 = vector.load %arg36[%get3A_449, %get3A_450, %get3A_451] : memref<3x96x288xf32, #tpu.memory_space<vmem>>, vector<1x96x288xf32>
    %get3A_453 = vector.shape_cast %get3A_452 : vector<1x96x288xf32> to vector<96x288xf32>
    %dot_general3A_454 = arith.constant dense<0.000000e+00> : vector<96x112xf32>
    %dot_general3A_455 = tpu.matmul %get3A_453, %slice3A_448, %dot_general3A_454 {dimension_numbers = #tpu.dot_dimension_numbers<[1], [0], [0], [1], [0, 0, 1, 1], [], []>, transpose_lhs_hint = false} : vector<96x288xf32>, vector<288x112xf32>, vector<96x112xf32> -> vector<96x112xf32>
    %get3A_456 = arith.constant 1 : index
    %get3A_457 = arith.constant 0 : index
    %get3A_458 = arith.constant 0 : index
    %get3A_459 = vector.load %arg36[%get3A_456, %get3A_457, %get3A_458] : memref<3x96x288xf32, #tpu.memory_space<vmem>>, vector<1x96x288xf32>
    %get3A_460 = vector.shape_cast %get3A_459 : vector<1x96x288xf32> to vector<96x288xf32>
    %dot_general3A_461 = arith.constant dense<0.000000e+00> : vector<96x112xf32>
    %dot_general3A_462 = tpu.matmul %get3A_460, %slice3A_447, %dot_general3A_461 {dimension_numbers = #tpu.dot_dimension_numbers<[1], [0], [0], [1], [0, 0, 1, 1], [], []>, transpose_lhs_hint = false} : vector<96x288xf32>, vector<288x112xf32>, vector<96x112xf32> -> vector<96x112xf32>
    %get3A_463 = arith.constant 2 : index
    %get3A_464 = arith.constant 0 : index
    %get3A_465 = arith.constant 0 : index
    %get3A_466 = vector.load %arg36[%get3A_463, %get3A_464, %get3A_465] : memref<3x96x288xf32, #tpu.memory_space<vmem>>, vector<1x96x288xf32>
    %get3A_467 = vector.shape_cast %get3A_466 : vector<1x96x288xf32> to vector<96x288xf32>
    %dot_general3A_468 = arith.constant dense<0.000000e+00> : vector<96x112xf32>
    %dot_general3A_469 = tpu.matmul %get3A_467, %slice3A_448, %dot_general3A_468 {dimension_numbers = #tpu.dot_dimension_numbers<[1], [0], [0], [1], [0, 0, 1, 1], [], []>, transpose_lhs_hint = false} : vector<96x288xf32>, vector<288x112xf32>, vector<96x112xf32> -> vector<96x112xf32>
    %jit3A_470 = arith.constant 0 : i32
    %convert_element_type3A_471 = arith.sitofp %jit3A_470 : i32 to f32
    %pad3A_472 = vector.broadcast %convert_element_type3A_471 : f32 to vector<96x1xf32>
    %pad3A_473 = tpu.concatenate %pad3A_472, %dot_general3A_455 in 1 : vector<96x1xf32>, vector<96x112xf32> -> vector<96x113xf32>
    %slice3A_474 = vector.extract_strided_slice %pad3A_473 {offsets = [0, 0], sizes = [96, 112], strides = [1, 1]} : vector<96x113xf32> to vector<96x112xf32>
    %add3A_475 = arith.addf %dot_general3A_462, %dot_general3A_469 : vector<96x112xf32>
    %add3A_476 = arith.addf %add3A_475, %slice3A_474 : vector<96x112xf32>
    %get3A_477 = arith.constant 0 : index
    %get3A_478 = arith.constant 0 : index
    %get3A_479 = vector.load %arg37[%get3A_477, %get3A_478] : memref<96x1xf32, #tpu.memory_space<vmem>>, vector<96x1xf32>
    %add3A_480 = vector.broadcast %get3A_479 : vector<96x1xf32> to vector<96x112xf32>
    %add3A_481 = arith.addf %add3A_476, %add3A_480 : vector<96x112xf32>
    %swap3A_482 = arith.constant 0 : index
    %swap3A_483 = arith.constant 0 : index
    %swap3A_484 = arith.constant 5 : index
    %swap3A_485 = arith.constant 0 : index
    %swap3A_486 = arith.constant 0 : index
    %swap3A_487 = vector.load %arg38[%swap3A_482, %swap3A_483, %swap3A_484, %swap3A_485, %swap3A_486] : memref<1x96x16x1x112xf32, #tpu.memory_space<vmem>>, vector<1x96x1x1x112xf32>
    %swap3A_488 = vector.shape_cast %swap3A_487 : vector<1x96x1x1x112xf32> to vector<96x112xf32>
    %swap3A_489 = vector.shape_cast %add3A_481 : vector<96x112xf32> to vector<1x96x1x1x112xf32>
    tpu.vector_store %arg38[%swap3A_482, %swap3A_483, %swap3A_484, %swap3A_485, %swap3A_486], %swap3A_489 {strides = array<i32>} : memref<1x96x16x1x112xf32, #tpu.memory_space<vmem>>, vector<1x96x1x1x112xf32>,
    %slice3A_490 = vector.extract_strided_slice %dot_general3A_236 {offsets = [1728, 0], sizes = [288, 112], strides = [1, 1]} : vector<4608x256xf32> to vector<288x112xf32>
    %slice3A_491 = vector.extract_strided_slice %dot_general3A_236 {offsets = [1728, 128], sizes = [288, 112], strides = [1, 1]} : vector<4608x256xf32> to vector<288x112xf32>
    %get3A_492 = arith.constant 0 : index
    %get3A_493 = arith.constant 0 : index
    %get3A_494 = arith.constant 0 : index
    %get3A_495 = vector.load %arg36[%get3A_492, %get3A_493, %get3A_494] : memref<3x96x288xf32, #tpu.memory_space<vmem>>, vector<1x96x288xf32>
    %get3A_496 = vector.shape_cast %get3A_495 : vector<1x96x288xf32> to vector<96x288xf32>
    %dot_general3A_497 = arith.constant dense<0.000000e+00> : vector<96x112xf32>
    %dot_general3A_498 = tpu.matmul %get3A_496, %slice3A_491, %dot_general3A_497 {dimension_numbers = #tpu.dot_dimension_numbers<[1], [0], [0], [1], [0, 0, 1, 1], [], []>, transpose_lhs_hint = false} : vector<96x288xf32>, vector<288x112xf32>, vector<96x112xf32> -> vector<96x112xf32>
    %get3A_499 = arith.constant 1 : index
    %get3A_500 = arith.constant 0 : index
    %get3A_501 = arith.constant 0 : index
    %get3A_502 = vector.load %arg36[%get3A_499, %get3A_500, %get3A_501] : memref<3x96x288xf32, #tpu.memory_space<vmem>>, vector<1x96x288xf32>
    %get3A_503 = vector.shape_cast %get3A_502 : vector<1x96x288xf32> to vector<96x288xf32>
    %dot_general3A_504 = arith.constant dense<0.000000e+00> : vector<96x112xf32>
    %dot_general3A_505 = tpu.matmul %get3A_503, %slice3A_490, %dot_general3A_504 {dimension_numbers = #tpu.dot_dimension_numbers<[1], [0], [0], [1], [0, 0, 1, 1], [], []>, transpose_lhs_hint = false} : vector<96x288xf32>, vector<288x112xf32>, vector<96x112xf32> -> vector<96x112xf32>
    %get3A_506 = arith.constant 2 : index
    %get3A_507 = arith.constant 0 : index
    %get3A_508 = arith.constant 0 : index
    %get3A_509 = vector.load %arg36[%get3A_506, %get3A_507, %get3A_508] : memref<3x96x288xf32, #tpu.memory_space<vmem>>, vector<1x96x288xf32>
    %get3A_510 = vector.shape_cast %get3A_509 : vector<1x96x288xf32> to vector<96x288xf32>
    %dot_general3A_511 = arith.constant dense<0.000000e+00> : vector<96x112xf32>
    %dot_general3A_512 = tpu.matmul %get3A_510, %slice3A_491, %dot_general3A_511 {dimension_numbers = #tpu.dot_dimension_numbers<[1], [0], [0], [1], [0, 0, 1, 1], [], []>, transpose_lhs_hint = false} : vector<96x288xf32>, vector<288x112xf32>, vector<96x112xf32> -> vector<96x112xf32>
    %jit3A_513 = arith.constant 0 : i32
    %convert_element_type3A_514 = arith.sitofp %jit3A_513 : i32 to f32
    %pad3A_515 = vector.broadcast %convert_element_type3A_514 : f32 to vector<96x1xf32>
    %pad3A_516 = tpu.concatenate %pad3A_515, %dot_general3A_498 in 1 : vector<96x1xf32>, vector<96x112xf32> -> vector<96x113xf32>
    %slice3A_517 = vector.extract_strided_slice %pad3A_516 {offsets = [0, 0], sizes = [96, 112], strides = [1, 1]} : vector<96x113xf32> to vector<96x112xf32>
    %add3A_518 = arith.addf %dot_general3A_505, %dot_general3A_512 : vector<96x112xf32>
    %add3A_519 = arith.addf %add3A_518, %slice3A_517 : vector<96x112xf32>
    %get3A_520 = arith.constant 0 : index
    %get3A_521 = arith.constant 0 : index
    %get3A_522 = vector.load %arg37[%get3A_520, %get3A_521] : memref<96x1xf32, #tpu.memory_space<vmem>>, vector<96x1xf32>
    %add3A_523 = vector.broadcast %get3A_522 : vector<96x1xf32> to vector<96x112xf32>
    %add3A_524 = arith.addf %add3A_519, %add3A_523 : vector<96x112xf32>
    %swap3A_525 = arith.constant 0 : index
    %swap3A_526 = arith.constant 0 : index
    %swap3A_527 = arith.constant 6 : index
    %swap3A_528 = arith.constant 0 : index
    %swap3A_529 = arith.constant 0 : index
    %swap3A_530 = vector.load %arg38[%swap3A_525, %swap3A_526, %swap3A_527, %swap3A_528, %swap3A_529] : memref<1x96x16x1x112xf32, #tpu.memory_space<vmem>>, vector<1x96x1x1x112xf32>
    %swap3A_531 = vector.shape_cast %swap3A_530 : vector<1x96x1x1x112xf32> to vector<96x112xf32>
    %swap3A_532 = vector.shape_cast %add3A_524 : vector<96x112xf32> to vector<1x96x1x1x112xf32>
    tpu.vector_store %arg38[%swap3A_525, %swap3A_526, %swap3A_527, %swap3A_528, %swap3A_529], %swap3A_532 {strides = array<i32>} : memref<1x96x16x1x112xf32, #tpu.memory_space<vmem>>, vector<1x96x1x1x112xf32>,
    %slice3A_533 = vector.extract_strided_slice %dot_general3A_236 {offsets = [2016, 0], sizes = [288, 112], strides = [1, 1]} : vector<4608x256xf32> to vector<288x112xf32>
    %slice3A_534 = vector.extract_strided_slice %dot_general3A_236 {offsets = [2016, 128], sizes = [288, 112], strides = [1, 1]} : vector<4608x256xf32> to vector<288x112xf32>
    %get3A_535 = arith.constant 0 : index
    %get3A_536 = arith.constant 0 : index
    %get3A_537 = arith.constant 0 : index
    %get3A_538 = vector.load %arg36[%get3A_535, %get3A_536, %get3A_537] : memref<3x96x288xf32, #tpu.memory_space<vmem>>, vector<1x96x288xf32>
    %get3A_539 = vector.shape_cast %get3A_538 : vector<1x96x288xf32> to vector<96x288xf32>
    %dot_general3A_540 = arith.constant dense<0.000000e+00> : vector<96x112xf32>
    %dot_general3A_541 = tpu.matmul %get3A_539, %slice3A_534, %dot_general3A_540 {dimension_numbers = #tpu.dot_dimension_numbers<[1], [0], [0], [1], [0, 0, 1, 1], [], []>, transpose_lhs_hint = false} : vector<96x288xf32>, vector<288x112xf32>, vector<96x112xf32> -> vector<96x112xf32>
    %get3A_542 = arith.constant 1 : index
    %get3A_543 = arith.constant 0 : index
    %get3A_544 = arith.constant 0 : index
    %get3A_545 = vector.load %arg36[%get3A_542, %get3A_543, %get3A_544] : memref<3x96x288xf32, #tpu.memory_space<vmem>>, vector<1x96x288xf32>
    %get3A_546 = vector.shape_cast %get3A_545 : vector<1x96x288xf32> to vector<96x288xf32>
    %dot_general3A_547 = arith.constant dense<0.000000e+00> : vector<96x112xf32>
    %dot_general3A_548 = tpu.matmul %get3A_546, %slice3A_533, %dot_general3A_547 {dimension_numbers = #tpu.dot_dimension_numbers<[1], [0], [0], [1], [0, 0, 1, 1], [], []>, transpose_lhs_hint = false} : vector<96x288xf32>, vector<288x112xf32>, vector<96x112xf32> -> vector<96x112xf32>
    %get3A_549 = arith.constant 2 : index
    %get3A_550 = arith.constant 0 : index
    %get3A_551 = arith.constant 0 : index
    %get3A_552 = vector.load %arg36[%get3A_549, %get3A_550, %get3A_551] : memref<3x96x288xf32, #tpu.memory_space<vmem>>, vector<1x96x288xf32>
    %get3A_553 = vector.shape_cast %get3A_552 : vector<1x96x288xf32> to vector<96x288xf32>
    %dot_general3A_554 = arith.constant dense<0.000000e+00> : vector<96x112xf32>
    %dot_general3A_555 = tpu.matmul %get3A_553, %slice3A_534, %dot_general3A_554 {dimension_numbers = #tpu.dot_dimension_numbers<[1], [0], [0], [1], [0, 0, 1, 1], [], []>, transpose_lhs_hint = false} : vector<96x288xf32>, vector<288x112xf32>, vector<96x112xf32> -> vector<96x112xf32>
    %jit3A_556 = arith.constant 0 : i32
    %convert_element_type3A_557 = arith.sitofp %jit3A_556 : i32 to f32
    %pad3A_558 = vector.broadcast %convert_element_type3A_557 : f32 to vector<96x1xf32>
    %pad3A_559 = tpu.concatenate %pad3A_558, %dot_general3A_541 in 1 : vector<96x1xf32>, vector<96x112xf32> -> vector<96x113xf32>
    %slice3A_560 = vector.extract_strided_slice %pad3A_559 {offsets = [0, 0], sizes = [96, 112], strides = [1, 1]} : vector<96x113xf32> to vector<96x112xf32>
    %add3A_561 = arith.addf %dot_general3A_548, %dot_general3A_555 : vector<96x112xf32>
    %add3A_562 = arith.addf %add3A_561, %slice3A_560 : vector<96x112xf32>
    %get3A_563 = arith.constant 0 : index
    %get3A_564 = arith.constant 0 : index
    %get3A_565 = vector.load %arg37[%get3A_563, %get3A_564] : memref<96x1xf32, #tpu.memory_space<vmem>>, vector<96x1xf32>
    %add3A_566 = vector.broadcast %get3A_565 : vector<96x1xf32> to vector<96x112xf32>
    %add3A_567 = arith.addf %add3A_562, %add3A_566 : vector<96x112xf32>
    %swap3A_568 = arith.constant 0 : index
    %swap3A_569 = arith.constant 0 : index
    %swap3A_570 = arith.constant 7 : index
    %swap3A_571 = arith.constant 0 : index
    %swap3A_572 = arith.constant 0 : index
    %swap3A_573 = vector.load %arg38[%swap3A_568, %swap3A_569, %swap3A_570, %swap3A_571, %swap3A_572] : memref<1x96x16x1x112xf32, #tpu.memory_space<vmem>>, vector<1x96x1x1x112xf32>
    %swap3A_574 = vector.shape_cast %swap3A_573 : vector<1x96x1x1x112xf32> to vector<96x112xf32>
    %swap3A_575 = vector.shape_cast %add3A_567 : vector<96x112xf32> to vector<1x96x1x1x112xf32>
    tpu.vector_store %arg38[%swap3A_568, %swap3A_569, %swap3A_570, %swap3A_571, %swap3A_572], %swap3A_575 {strides = array<i32>} : memref<1x96x16x1x112xf32, #tpu.memory_space<vmem>>, vector<1x96x1x1x112xf32>,
    %slice3A_576 = vector.extract_strided_slice %dot_general3A_236 {offsets = [2304, 0], sizes = [288, 112], strides = [1, 1]} : vector<4608x256xf32> to vector<288x112xf32>
    %slice3A_577 = vector.extract_strided_slice %dot_general3A_236 {offsets = [2304, 128], sizes = [288, 112], strides = [1, 1]} : vector<4608x256xf32> to vector<288x112xf32>
    %get3A_578 = arith.constant 0 : index
    %get3A_579 = arith.constant 0 : index
    %get3A_580 = arith.constant 0 : index
    %get3A_581 = vector.load %arg36[%get3A_578, %get3A_579, %get3A_580] : memref<3x96x288xf32, #tpu.memory_space<vmem>>, vector<1x96x288xf32>
    %get3A_582 = vector.shape_cast %get3A_581 : vector<1x96x288xf32> to vector<96x288xf32>
    %dot_general3A_583 = arith.constant dense<0.000000e+00> : vector<96x112xf32>
    %dot_general3A_584 = tpu.matmul %get3A_582, %slice3A_577, %dot_general3A_583 {dimension_numbers = #tpu.dot_dimension_numbers<[1], [0], [0], [1], [0, 0, 1, 1], [], []>, transpose_lhs_hint = false} : vector<96x288xf32>, vector<288x112xf32>, vector<96x112xf32> -> vector<96x112xf32>
    %get3A_585 = arith.constant 1 : index
    %get3A_586 = arith.constant 0 : index
    %get3A_587 = arith.constant 0 : index
    %get3A_588 = vector.load %arg36[%get3A_585, %get3A_586, %get3A_587] : memref<3x96x288xf32, #tpu.memory_space<vmem>>, vector<1x96x288xf32>
    %get3A_589 = vector.shape_cast %get3A_588 : vector<1x96x288xf32> to vector<96x288xf32>
    %dot_general3A_590 = arith.constant dense<0.000000e+00> : vector<96x112xf32>
    %dot_general3A_591 = tpu.matmul %get3A_589, %slice3A_576, %dot_general3A_590 {dimension_numbers = #tpu.dot_dimension_numbers<[1], [0], [0], [1], [0, 0, 1, 1], [], []>, transpose_lhs_hint = false} : vector<96x288xf32>, vector<288x112xf32>, vector<96x112xf32> -> vector<96x112xf32>
    %get3A_592 = arith.constant 2 : index
    %get3A_593 = arith.constant 0 : index
    %get3A_594 = arith.constant 0 : index
    %get3A_595 = vector.load %arg36[%get3A_592, %get3A_593, %get3A_594] : memref<3x96x288xf32, #tpu.memory_space<vmem>>, vector<1x96x288xf32>
    %get3A_596 = vector.shape_cast %get3A_595 : vector<1x96x288xf32> to vector<96x288xf32>
    %dot_general3A_597 = arith.constant dense<0.000000e+00> : vector<96x112xf32>
    %dot_general3A_598 = tpu.matmul %get3A_596, %slice3A_577, %dot_general3A_597 {dimension_numbers = #tpu.dot_dimension_numbers<[1], [0], [0], [1], [0, 0, 1, 1], [], []>, transpose_lhs_hint = false} : vector<96x288xf32>, vector<288x112xf32>, vector<96x112xf32> -> vector<96x112xf32>
    %jit3A_599 = arith.constant 0 : i32
    %convert_element_type3A_600 = arith.sitofp %jit3A_599 : i32 to f32
    %pad3A_601 = vector.broadcast %convert_element_type3A_600 : f32 to vector<96x1xf32>
    %pad3A_602 = tpu.concatenate %pad3A_601, %dot_general3A_584 in 1 : vector<96x1xf32>, vector<96x112xf32> -> vector<96x113xf32>
    %slice3A_603 = vector.extract_strided_slice %pad3A_602 {offsets = [0, 0], sizes = [96, 112], strides = [1, 1]} : vector<96x113xf32> to vector<96x112xf32>
    %add3A_604 = arith.addf %dot_general3A_591, %dot_general3A_598 : vector<96x112xf32>
    %add3A_605 = arith.addf %add3A_604, %slice3A_603 : vector<96x112xf32>
    %get3A_606 = arith.constant 0 : index
    %get3A_607 = arith.constant 0 : index
    %get3A_608 = vector.load %arg37[%get3A_606, %get3A_607] : memref<96x1xf32, #tpu.memory_space<vmem>>, vector<96x1xf32>
    %add3A_609 = vector.broadcast %get3A_608 : vector<96x1xf32> to vector<96x112xf32>
    %add3A_610 = arith.addf %add3A_605, %add3A_609 : vector<96x112xf32>
    %swap3A_611 = arith.constant 0 : index
    %swap3A_612 = arith.constant 0 : index
    %swap3A_613 = arith.constant 8 : index
    %swap3A_614 = arith.constant 0 : index
    %swap3A_615 = arith.constant 0 : index
    %swap3A_616 = vector.load %arg38[%swap3A_611, %swap3A_612, %swap3A_613, %swap3A_614, %swap3A_615] : memref<1x96x16x1x112xf32, #tpu.memory_space<vmem>>, vector<1x96x1x1x112xf32>
    %swap3A_617 = vector.shape_cast %swap3A_616 : vector<1x96x1x1x112xf32> to vector<96x112xf32>
    %swap3A_618 = vector.shape_cast %add3A_610 : vector<96x112xf32> to vector<1x96x1x1x112xf32>
    tpu.vector_store %arg38[%swap3A_611, %swap3A_612, %swap3A_613, %swap3A_614, %swap3A_615], %swap3A_618 {strides = array<i32>} : memref<1x96x16x1x112xf32, #tpu.memory_space<vmem>>, vector<1x96x1x1x112xf32>,
    %slice3A_619 = vector.extract_strided_slice %dot_general3A_236 {offsets = [2592, 0], sizes = [288, 112], strides = [1, 1]} : vector<4608x256xf32> to vector<288x112xf32>
    %slice3A_620 = vector.extract_strided_slice %dot_general3A_236 {offsets = [2592, 128], sizes = [288, 112], strides = [1, 1]} : vector<4608x256xf32> to vector<288x112xf32>
    %get3A_621 = arith.constant 0 : index
    %get3A_622 = arith.constant 0 : index
    %get3A_623 = arith.constant 0 : index
    %get3A_624 = vector.load %arg36[%get3A_621, %get3A_622, %get3A_623] : memref<3x96x288xf32, #tpu.memory_space<vmem>>, vector<1x96x288xf32>
    %get3A_625 = vector.shape_cast %get3A_624 : vector<1x96x288xf32> to vector<96x288xf32>
    %dot_general3A_626 = arith.constant dense<0.000000e+00> : vector<96x112xf32>
    %dot_general3A_627 = tpu.matmul %get3A_625, %slice3A_620, %dot_general3A_626 {dimension_numbers = #tpu.dot_dimension_numbers<[1], [0], [0], [1], [0, 0, 1, 1], [], []>, transpose_lhs_hint = false} : vector<96x288xf32>, vector<288x112xf32>, vector<96x112xf32> -> vector<96x112xf32>
    %get3A_628 = arith.constant 1 : index
    %get3A_629 = arith.constant 0 : index
    %get3A_630 = arith.constant 0 : index
    %get3A_631 = vector.load %arg36[%get3A_628, %get3A_629, %get3A_630] : memref<3x96x288xf32, #tpu.memory_space<vmem>>, vector<1x96x288xf32>
    %get3A_632 = vector.shape_cast %get3A_631 : vector<1x96x288xf32> to vector<96x288xf32>
    %dot_general3A_633 = arith.constant dense<0.000000e+00> : vector<96x112xf32>
    %dot_general3A_634 = tpu.matmul %get3A_632, %slice3A_619, %dot_general3A_633 {dimension_numbers = #tpu.dot_dimension_numbers<[1], [0], [0], [1], [0, 0, 1, 1], [], []>, transpose_lhs_hint = false} : vector<96x288xf32>, vector<288x112xf32>, vector<96x112xf32> -> vector<96x112xf32>
    %get3A_635 = arith.constant 2 : index
    %get3A_636 = arith.constant 0 : index
    %get3A_637 = arith.constant 0 : index
    %get3A_638 = vector.load %arg36[%get3A_635, %get3A_636, %get3A_637] : memref<3x96x288xf32, #tpu.memory_space<vmem>>, vector<1x96x288xf32>
    %get3A_639 = vector.shape_cast %get3A_638 : vector<1x96x288xf32> to vector<96x288xf32>
    %dot_general3A_640 = arith.constant dense<0.000000e+00> : vector<96x112xf32>
    %dot_general3A_641 = tpu.matmul %get3A_639, %slice3A_620, %dot_general3A_640 {dimension_numbers = #tpu.dot_dimension_numbers<[1], [0], [0], [1], [0, 0, 1, 1], [], []>, transpose_lhs_hint = false} : vector<96x288xf32>, vector<288x112xf32>, vector<96x112xf32> -> vector<96x112xf32>
    %jit3A_642 = arith.constant 0 : i32
    %convert_element_type3A_643 = arith.sitofp %jit3A_642 : i32 to f32
    %pad3A_644 = vector.broadcast %convert_element_type3A_643 : f32 to vector<96x1xf32>
    %pad3A_645 = tpu.concatenate %pad3A_644, %dot_general3A_627 in 1 : vector<96x1xf32>, vector<96x112xf32> -> vector<96x113xf32>
    %slice3A_646 = vector.extract_strided_slice %pad3A_645 {offsets = [0, 0], sizes = [96, 112], strides = [1, 1]} : vector<96x113xf32> to vector<96x112xf32>
    %add3A_647 = arith.addf %dot_general3A_634, %dot_general3A_641 : vector<96x112xf32>
    %add3A_648 = arith.addf %add3A_647, %slice3A_646 : vector<96x112xf32>
    %get3A_649 = arith.constant 0 : index
    %get3A_650 = arith.constant 0 : index
    %get3A_651 = vector.load %arg37[%get3A_649, %get3A_650] : memref<96x1xf32, #tpu.memory_space<vmem>>, vector<96x1xf32>
    %add3A_652 = vector.broadcast %get3A_651 : vector<96x1xf32> to vector<96x112xf32>
    %add3A_653 = arith.addf %add3A_648, %add3A_652 : vector<96x112xf32>
    %swap3A_654 = arith.constant 0 : index
    %swap3A_655 = arith.constant 0 : index
    %swap3A_656 = arith.constant 9 : index
    %swap3A_657 = arith.constant 0 : index
    %swap3A_658 = arith.constant 0 : index
    %swap3A_659 = vector.load %arg38[%swap3A_654, %swap3A_655, %swap3A_656, %swap3A_657, %swap3A_658] : memref<1x96x16x1x112xf32, #tpu.memory_space<vmem>>, vector<1x96x1x1x112xf32>
    %swap3A_660 = vector.shape_cast %swap3A_659 : vector<1x96x1x1x112xf32> to vector<96x112xf32>
    %swap3A_661 = vector.shape_cast %add3A_653 : vector<96x112xf32> to vector<1x96x1x1x112xf32>
    tpu.vector_store %arg38[%swap3A_654, %swap3A_655, %swap3A_656, %swap3A_657, %swap3A_658], %swap3A_661 {strides = array<i32>} : memref<1x96x16x1x112xf32, #tpu.memory_space<vmem>>, vector<1x96x1x1x112xf32>,
    %slice3A_662 = vector.extract_strided_slice %dot_general3A_236 {offsets = [2880, 0], sizes = [288, 112], strides = [1, 1]} : vector<4608x256xf32> to vector<288x112xf32>
    %slice3A_663 = vector.extract_strided_slice %dot_general3A_236 {offsets = [2880, 128], sizes = [288, 112], strides = [1, 1]} : vector<4608x256xf32> to vector<288x112xf32>
    %get3A_664 = arith.constant 0 : index
    %get3A_665 = arith.constant 0 : index
    %get3A_666 = arith.constant 0 : index
    %get3A_667 = vector.load %arg36[%get3A_664, %get3A_665, %get3A_666] : memref<3x96x288xf32, #tpu.memory_space<vmem>>, vector<1x96x288xf32>
    %get3A_668 = vector.shape_cast %get3A_667 : vector<1x96x288xf32> to vector<96x288xf32>
    %dot_general3A_669 = arith.constant dense<0.000000e+00> : vector<96x112xf32>
    %dot_general3A_670 = tpu.matmul %get3A_668, %slice3A_663, %dot_general3A_669 {dimension_numbers = #tpu.dot_dimension_numbers<[1], [0], [0], [1], [0, 0, 1, 1], [], []>, transpose_lhs_hint = false} : vector<96x288xf32>, vector<288x112xf32>, vector<96x112xf32> -> vector<96x112xf32>
    %get3A_671 = arith.constant 1 : index
    %get3A_672 = arith.constant 0 : index
    %get3A_673 = arith.constant 0 : index
    %get3A_674 = vector.load %arg36[%get3A_671, %get3A_672, %get3A_673] : memref<3x96x288xf32, #tpu.memory_space<vmem>>, vector<1x96x288xf32>
    %get3A_675 = vector.shape_cast %get3A_674 : vector<1x96x288xf32> to vector<96x288xf32>
    %dot_general3A_676 = arith.constant dense<0.000000e+00> : vector<96x112xf32>
    %dot_general3A_677 = tpu.matmul %get3A_675, %slice3A_662, %dot_general3A_676 {dimension_numbers = #tpu.dot_dimension_numbers<[1], [0], [0], [1], [0, 0, 1, 1], [], []>, transpose_lhs_hint = false} : vector<96x288xf32>, vector<288x112xf32>, vector<96x112xf32> -> vector<96x112xf32>
    %get3A_678 = arith.constant 2 : index
    %get3A_679 = arith.constant 0 : index
    %get3A_680 = arith.constant 0 : index
    %get3A_681 = vector.load %arg36[%get3A_678, %get3A_679, %get3A_680] : memref<3x96x288xf32, #tpu.memory_space<vmem>>, vector<1x96x288xf32>
    %get3A_682 = vector.shape_cast %get3A_681 : vector<1x96x288xf32> to vector<96x288xf32>
    %dot_general3A_683 = arith.constant dense<0.000000e+00> : vector<96x112xf32>
    %dot_general3A_684 = tpu.matmul %get3A_682, %slice3A_663, %dot_general3A_683 {dimension_numbers = #tpu.dot_dimension_numbers<[1], [0], [0], [1], [0, 0, 1, 1], [], []>, transpose_lhs_hint = false} : vector<96x288xf32>, vector<288x112xf32>, vector<96x112xf32> -> vector<96x112xf32>
    %jit3A_685 = arith.constant 0 : i32
    %convert_element_type3A_686 = arith.sitofp %jit3A_685 : i32 to f32
    %pad3A_687 = vector.broadcast %convert_element_type3A_686 : f32 to vector<96x1xf32>
    %pad3A_688 = tpu.concatenate %pad3A_687, %dot_general3A_670 in 1 : vector<96x1xf32>, vector<96x112xf32> -> vector<96x113xf32>
    %slice3A_689 = vector.extract_strided_slice %pad3A_688 {offsets = [0, 0], sizes = [96, 112], strides = [1, 1]} : vector<96x113xf32> to vector<96x112xf32>
    %add3A_690 = arith.addf %dot_general3A_677, %dot_general3A_684 : vector<96x112xf32>
    %add3A_691 = arith.addf %add3A_690, %slice3A_689 : vector<96x112xf32>
    %get3A_692 = arith.constant 0 : index
    %get3A_693 = arith.constant 0 : index
    %get3A_694 = vector.load %arg37[%get3A_692, %get3A_693] : memref<96x1xf32, #tpu.memory_space<vmem>>, vector<96x1xf32>
    %add3A_695 = vector.broadcast %get3A_694 : vector<96x1xf32> to vector<96x112xf32>
    %add3A_696 = arith.addf %add3A_691, %add3A_695 : vector<96x112xf32>
    %swap3A_697 = arith.constant 0 : index
    %swap3A_698 = arith.constant 0 : index
    %swap3A_699 = arith.constant 10 : index
    %swap3A_700 = arith.constant 0 : index
    %swap3A_701 = arith.constant 0 : index
    %swap3A_702 = vector.load %arg38[%swap3A_697, %swap3A_698, %swap3A_699, %swap3A_700, %swap3A_701] : memref<1x96x16x1x112xf32, #tpu.memory_space<vmem>>, vector<1x96x1x1x112xf32>
    %swap3A_703 = vector.shape_cast %swap3A_702 : vector<1x96x1x1x112xf32> to vector<96x112xf32>
    %swap3A_704 = vector.shape_cast %add3A_696 : vector<96x112xf32> to vector<1x96x1x1x112xf32>
    tpu.vector_store %arg38[%swap3A_697, %swap3A_698, %swap3A_699, %swap3A_700, %swap3A_701], %swap3A_704 {strides = array<i32>} : memref<1x96x16x1x112xf32, #tpu.memory_space<vmem>>, vector<1x96x1x1x112xf32>,
    %slice3A_705 = vector.extract_strided_slice %dot_general3A_236 {offsets = [3168, 0], sizes = [288, 112], strides = [1, 1]} : vector<4608x256xf32> to vector<288x112xf32>
    %slice3A_706 = vector.extract_strided_slice %dot_general3A_236 {offsets = [3168, 128], sizes = [288, 112], strides = [1, 1]} : vector<4608x256xf32> to vector<288x112xf32>
    %get3A_707 = arith.constant 0 : index
    %get3A_708 = arith.constant 0 : index
    %get3A_709 = arith.constant 0 : index
    %get3A_710 = vector.load %arg36[%get3A_707, %get3A_708, %get3A_709] : memref<3x96x288xf32, #tpu.memory_space<vmem>>, vector<1x96x288xf32>
    %get3A_711 = vector.shape_cast %get3A_710 : vector<1x96x288xf32> to vector<96x288xf32>
    %dot_general3A_712 = arith.constant dense<0.000000e+00> : vector<96x112xf32>
    %dot_general3A_713 = tpu.matmul %get3A_711, %slice3A_706, %dot_general3A_712 {dimension_numbers = #tpu.dot_dimension_numbers<[1], [0], [0], [1], [0, 0, 1, 1], [], []>, transpose_lhs_hint = false} : vector<96x288xf32>, vector<288x112xf32>, vector<96x112xf32> -> vector<96x112xf32>
    %get3A_714 = arith.constant 1 : index
    %get3A_715 = arith.constant 0 : index
    %get3A_716 = arith.constant 0 : index
    %get3A_717 = vector.load %arg36[%get3A_714, %get3A_715, %get3A_716] : memref<3x96x288xf32, #tpu.memory_space<vmem>>, vector<1x96x288xf32>
    %get3A_718 = vector.shape_cast %get3A_717 : vector<1x96x288xf32> to vector<96x288xf32>
    %dot_general3A_719 = arith.constant dense<0.000000e+00> : vector<96x112xf32>
    %dot_general3A_720 = tpu.matmul %get3A_718, %slice3A_705, %dot_general3A_719 {dimension_numbers = #tpu.dot_dimension_numbers<[1], [0], [0], [1], [0, 0, 1, 1], [], []>, transpose_lhs_hint = false} : vector<96x288xf32>, vector<288x112xf32>, vector<96x112xf32> -> vector<96x112xf32>
    %get3A_721 = arith.constant 2 : index
    %get3A_722 = arith.constant 0 : index
    %get3A_723 = arith.constant 0 : index
    %get3A_724 = vector.load %arg36[%get3A_721, %get3A_722, %get3A_723] : memref<3x96x288xf32, #tpu.memory_space<vmem>>, vector<1x96x288xf32>
    %get3A_725 = vector.shape_cast %get3A_724 : vector<1x96x288xf32> to vector<96x288xf32>
    %dot_general3A_726 = arith.constant dense<0.000000e+00> : vector<96x112xf32>
    %dot_general3A_727 = tpu.matmul %get3A_725, %slice3A_706, %dot_general3A_726 {dimension_numbers = #tpu.dot_dimension_numbers<[1], [0], [0], [1], [0, 0, 1, 1], [], []>, transpose_lhs_hint = false} : vector<96x288xf32>, vector<288x112xf32>, vector<96x112xf32> -> vector<96x112xf32>
    %jit3A_728 = arith.constant 0 : i32
    %convert_element_type3A_729 = arith.sitofp %jit3A_728 : i32 to f32
    %pad3A_730 = vector.broadcast %convert_element_type3A_729 : f32 to vector<96x1xf32>
    %pad3A_731 = tpu.concatenate %pad3A_730, %dot_general3A_713 in 1 : vector<96x1xf32>, vector<96x112xf32> -> vector<96x113xf32>
    %slice3A_732 = vector.extract_strided_slice %pad3A_731 {offsets = [0, 0], sizes = [96, 112], strides = [1, 1]} : vector<96x113xf32> to vector<96x112xf32>
    %add3A_733 = arith.addf %dot_general3A_720, %dot_general3A_727 : vector<96x112xf32>
    %add3A_734 = arith.addf %add3A_733, %slice3A_732 : vector<96x112xf32>
    %get3A_735 = arith.constant 0 : index
    %get3A_736 = arith.constant 0 : index
    %get3A_737 = vector.load %arg37[%get3A_735, %get3A_736] : memref<96x1xf32, #tpu.memory_space<vmem>>, vector<96x1xf32>
    %add3A_738 = vector.broadcast %get3A_737 : vector<96x1xf32> to vector<96x112xf32>
    %add3A_739 = arith.addf %add3A_734, %add3A_738 : vector<96x112xf32>
    %swap3A_740 = arith.constant 0 : index
    %swap3A_741 = arith.constant 0 : index
    %swap3A_742 = arith.constant 11 : index
    %swap3A_743 = arith.constant 0 : index
    %swap3A_744 = arith.constant 0 : index
    %swap3A_745 = vector.load %arg38[%swap3A_740, %swap3A_741, %swap3A_742, %swap3A_743, %swap3A_744] : memref<1x96x16x1x112xf32, #tpu.memory_space<vmem>>, vector<1x96x1x1x112xf32>
    %swap3A_746 = vector.shape_cast %swap3A_745 : vector<1x96x1x1x112xf32> to vector<96x112xf32>
    %swap3A_747 = vector.shape_cast %add3A_739 : vector<96x112xf32> to vector<1x96x1x1x112xf32>
    tpu.vector_store %arg38[%swap3A_740, %swap3A_741, %swap3A_742, %swap3A_743, %swap3A_744], %swap3A_747 {strides = array<i32>} : memref<1x96x16x1x112xf32, #tpu.memory_space<vmem>>, vector<1x96x1x1x112xf32>,
    %slice3A_748 = vector.extract_strided_slice %dot_general3A_236 {offsets = [3456, 0], sizes = [288, 112], strides = [1, 1]} : vector<4608x256xf32> to vector<288x112xf32>
    %slice3A_749 = vector.extract_strided_slice %dot_general3A_236 {offsets = [3456, 128], sizes = [288, 112], strides = [1, 1]} : vector<4608x256xf32> to vector<288x112xf32>
    %get3A_750 = arith.constant 0 : index
    %get3A_751 = arith.constant 0 : index
    %get3A_752 = arith.constant 0 : index
    %get3A_753 = vector.load %arg36[%get3A_750, %get3A_751, %get3A_752] : memref<3x96x288xf32, #tpu.memory_space<vmem>>, vector<1x96x288xf32>
    %get3A_754 = vector.shape_cast %get3A_753 : vector<1x96x288xf32> to vector<96x288xf32>
    %dot_general3A_755 = arith.constant dense<0.000000e+00> : vector<96x112xf32>
    %dot_general3A_756 = tpu.matmul %get3A_754, %slice3A_749, %dot_general3A_755 {dimension_numbers = #tpu.dot_dimension_numbers<[1], [0], [0], [1], [0, 0, 1, 1], [], []>, transpose_lhs_hint = false} : vector<96x288xf32>, vector<288x112xf32>, vector<96x112xf32> -> vector<96x112xf32>
    %get3A_757 = arith.constant 1 : index
    %get3A_758 = arith.constant 0 : index
    %get3A_759 = arith.constant 0 : index
    %get3A_760 = vector.load %arg36[%get3A_757, %get3A_758, %get3A_759] : memref<3x96x288xf32, #tpu.memory_space<vmem>>, vector<1x96x288xf32>
    %get3A_761 = vector.shape_cast %get3A_760 : vector<1x96x288xf32> to vector<96x288xf32>
    %dot_general3A_762 = arith.constant dense<0.000000e+00> : vector<96x112xf32>
    %dot_general3A_763 = tpu.matmul %get3A_761, %slice3A_748, %dot_general3A_762 {dimension_numbers = #tpu.dot_dimension_numbers<[1], [0], [0], [1], [0, 0, 1, 1], [], []>, transpose_lhs_hint = false} : vector<96x288xf32>, vector<288x112xf32>, vector<96x112xf32> -> vector<96x112xf32>
    %get3A_764 = arith.constant 2 : index
    %get3A_765 = arith.constant 0 : index
    %get3A_766 = arith.constant 0 : index
    %get3A_767 = vector.load %arg36[%get3A_764, %get3A_765, %get3A_766] : memref<3x96x288xf32, #tpu.memory_space<vmem>>, vector<1x96x288xf32>
    %get3A_768 = vector.shape_cast %get3A_767 : vector<1x96x288xf32> to vector<96x288xf32>
    %dot_general3A_769 = arith.constant dense<0.000000e+00> : vector<96x112xf32>
    %dot_general3A_770 = tpu.matmul %get3A_768, %slice3A_749, %dot_general3A_769 {dimension_numbers = #tpu.dot_dimension_numbers<[1], [0], [0], [1], [0, 0, 1, 1], [], []>, transpose_lhs_hint = false} : vector<96x288xf32>, vector<288x112xf32>, vector<96x112xf32> -> vector<96x112xf32>
    %jit3A_771 = arith.constant 0 : i32
    %convert_element_type3A_772 = arith.sitofp %jit3A_771 : i32 to f32
    %pad3A_773 = vector.broadcast %convert_element_type3A_772 : f32 to vector<96x1xf32>
    %pad3A_774 = tpu.concatenate %pad3A_773, %dot_general3A_756 in 1 : vector<96x1xf32>, vector<96x112xf32> -> vector<96x113xf32>
    %slice3A_775 = vector.extract_strided_slice %pad3A_774 {offsets = [0, 0], sizes = [96, 112], strides = [1, 1]} : vector<96x113xf32> to vector<96x112xf32>
    %add3A_776 = arith.addf %dot_general3A_763, %dot_general3A_770 : vector<96x112xf32>
    %add3A_777 = arith.addf %add3A_776, %slice3A_775 : vector<96x112xf32>
    %get3A_778 = arith.constant 0 : index
    %get3A_779 = arith.constant 0 : index
    %get3A_780 = vector.load %arg37[%get3A_778, %get3A_779] : memref<96x1xf32, #tpu.memory_space<vmem>>, vector<96x1xf32>
    %add3A_781 = vector.broadcast %get3A_780 : vector<96x1xf32> to vector<96x112xf32>
    %add3A_782 = arith.addf %add3A_777, %add3A_781 : vector<96x112xf32>
    %swap3A_783 = arith.constant 0 : index
    %swap3A_784 = arith.constant 0 : index
    %swap3A_785 = arith.constant 12 : index
    %swap3A_786 = arith.constant 0 : index
    %swap3A_787 = arith.constant 0 : index
    %swap3A_788 = vector.load %arg38[%swap3A_783, %swap3A_784, %swap3A_785, %swap3A_786, %swap3A_787] : memref<1x96x16x1x112xf32, #tpu.memory_space<vmem>>, vector<1x96x1x1x112xf32>
    %swap3A_789 = vector.shape_cast %swap3A_788 : vector<1x96x1x1x112xf32> to vector<96x112xf32>
    %swap3A_790 = vector.shape_cast %add3A_782 : vector<96x112xf32> to vector<1x96x1x1x112xf32>
    tpu.vector_store %arg38[%swap3A_783, %swap3A_784, %swap3A_785, %swap3A_786, %swap3A_787], %swap3A_790 {strides = array<i32>} : memref<1x96x16x1x112xf32, #tpu.memory_space<vmem>>, vector<1x96x1x1x112xf32>,
    %slice3A_791 = vector.extract_strided_slice %dot_general3A_236 {offsets = [3744, 0], sizes = [288, 112], strides = [1, 1]} : vector<4608x256xf32> to vector<288x112xf32>
    %slice3A_792 = vector.extract_strided_slice %dot_general3A_236 {offsets = [3744, 128], sizes = [288, 112], strides = [1, 1]} : vector<4608x256xf32> to vector<288x112xf32>
    %get3A_793 = arith.constant 0 : index
    %get3A_794 = arith.constant 0 : index
    %get3A_795 = arith.constant 0 : index
    %get3A_796 = vector.load %arg36[%get3A_793, %get3A_794, %get3A_795] : memref<3x96x288xf32, #tpu.memory_space<vmem>>, vector<1x96x288xf32>
    %get3A_797 = vector.shape_cast %get3A_796 : vector<1x96x288xf32> to vector<96x288xf32>
    %dot_general3A_798 = arith.constant dense<0.000000e+00> : vector<96x112xf32>
    %dot_general3A_799 = tpu.matmul %get3A_797, %slice3A_792, %dot_general3A_798 {dimension_numbers = #tpu.dot_dimension_numbers<[1], [0], [0], [1], [0, 0, 1, 1], [], []>, transpose_lhs_hint = false} : vector<96x288xf32>, vector<288x112xf32>, vector<96x112xf32> -> vector<96x112xf32>
    %get3A_800 = arith.constant 1 : index
    %get3A_801 = arith.constant 0 : index
    %get3A_802 = arith.constant 0 : index
    %get3A_803 = vector.load %arg36[%get3A_800, %get3A_801, %get3A_802] : memref<3x96x288xf32, #tpu.memory_space<vmem>>, vector<1x96x288xf32>
    %get3A_804 = vector.shape_cast %get3A_803 : vector<1x96x288xf32> to vector<96x288xf32>
    %dot_general3A_805 = arith.constant dense<0.000000e+00> : vector<96x112xf32>
    %dot_general3A_806 = tpu.matmul %get3A_804, %slice3A_791, %dot_general3A_805 {dimension_numbers = #tpu.dot_dimension_numbers<[1], [0], [0], [1], [0, 0, 1, 1], [], []>, transpose_lhs_hint = false} : vector<96x288xf32>, vector<288x112xf32>, vector<96x112xf32> -> vector<96x112xf32>
    %get3A_807 = arith.constant 2 : index
    %get3A_808 = arith.constant 0 : index
    %get3A_809 = arith.constant 0 : index
    %get3A_810 = vector.load %arg36[%get3A_807, %get3A_808, %get3A_809] : memref<3x96x288xf32, #tpu.memory_space<vmem>>, vector<1x96x288xf32>
    %get3A_811 = vector.shape_cast %get3A_810 : vector<1x96x288xf32> to vector<96x288xf32>
    %dot_general3A_812 = arith.constant dense<0.000000e+00> : vector<96x112xf32>
    %dot_general3A_813 = tpu.matmul %get3A_811, %slice3A_792, %dot_general3A_812 {dimension_numbers = #tpu.dot_dimension_numbers<[1], [0], [0], [1], [0, 0, 1, 1], [], []>, transpose_lhs_hint = false} : vector<96x288xf32>, vector<288x112xf32>, vector<96x112xf32> -> vector<96x112xf32>
    %jit3A_814 = arith.constant 0 : i32
    %convert_element_type3A_815 = arith.sitofp %jit3A_814 : i32 to f32
    %pad3A_816 = vector.broadcast %convert_element_type3A_815 : f32 to vector<96x1xf32>
    %pad3A_817 = tpu.concatenate %pad3A_816, %dot_general3A_799 in 1 : vector<96x1xf32>, vector<96x112xf32> -> vector<96x113xf32>
    %slice3A_818 = vector.extract_strided_slice %pad3A_817 {offsets = [0, 0], sizes = [96, 112], strides = [1, 1]} : vector<96x113xf32> to vector<96x112xf32>
    %add3A_819 = arith.addf %dot_general3A_806, %dot_general3A_813 : vector<96x112xf32>
    %add3A_820 = arith.addf %add3A_819, %slice3A_818 : vector<96x112xf32>
    %get3A_821 = arith.constant 0 : index
    %get3A_822 = arith.constant 0 : index
    %get3A_823 = vector.load %arg37[%get3A_821, %get3A_822] : memref<96x1xf32, #tpu.memory_space<vmem>>, vector<96x1xf32>
    %add3A_824 = vector.broadcast %get3A_823 : vector<96x1xf32> to vector<96x112xf32>
    %add3A_825 = arith.addf %add3A_820, %add3A_824 : vector<96x112xf32>
    %swap3A_826 = arith.constant 0 : index
    %swap3A_827 = arith.constant 0 : index
    %swap3A_828 = arith.constant 13 : index
    %swap3A_829 = arith.constant 0 : index
    %swap3A_830 = arith.constant 0 : index
    %swap3A_831 = vector.load %arg38[%swap3A_826, %swap3A_827, %swap3A_828, %swap3A_829, %swap3A_830] : memref<1x96x16x1x112xf32, #tpu.memory_space<vmem>>, vector<1x96x1x1x112xf32>
    %swap3A_832 = vector.shape_cast %swap3A_831 : vector<1x96x1x1x112xf32> to vector<96x112xf32>
    %swap3A_833 = vector.shape_cast %add3A_825 : vector<96x112xf32> to vector<1x96x1x1x112xf32>
    tpu.vector_store %arg38[%swap3A_826, %swap3A_827, %swap3A_828, %swap3A_829, %swap3A_830], %swap3A_833 {strides = array<i32>} : memref<1x96x16x1x112xf32, #tpu.memory_space<vmem>>, vector<1x96x1x1x112xf32>,
    %slice3A_834 = vector.extract_strided_slice %dot_general3A_236 {offsets = [4032, 0], sizes = [288, 112], strides = [1, 1]} : vector<4608x256xf32> to vector<288x112xf32>
    %slice3A_835 = vector.extract_strided_slice %dot_general3A_236 {offsets = [4032, 128], sizes = [288, 112], strides = [1, 1]} : vector<4608x256xf32> to vector<288x112xf32>
    %get3A_836 = arith.constant 0 : index
    %get3A_837 = arith.constant 0 : index
    %get3A_838 = arith.constant 0 : index
    %get3A_839 = vector.load %arg36[%get3A_836, %get3A_837, %get3A_838] : memref<3x96x288xf32, #tpu.memory_space<vmem>>, vector<1x96x288xf32>
    %get3A_840 = vector.shape_cast %get3A_839 : vector<1x96x288xf32> to vector<96x288xf32>
    %dot_general3A_841 = arith.constant dense<0.000000e+00> : vector<96x112xf32>
    %dot_general3A_842 = tpu.matmul %get3A_840, %slice3A_835, %dot_general3A_841 {dimension_numbers = #tpu.dot_dimension_numbers<[1], [0], [0], [1], [0, 0, 1, 1], [], []>, transpose_lhs_hint = false} : vector<96x288xf32>, vector<288x112xf32>, vector<96x112xf32> -> vector<96x112xf32>
    %get3A_843 = arith.constant 1 : index
    %get3A_844 = arith.constant 0 : index
    %get3A_845 = arith.constant 0 : index
    %get3A_846 = vector.load %arg36[%get3A_843, %get3A_844, %get3A_845] : memref<3x96x288xf32, #tpu.memory_space<vmem>>, vector<1x96x288xf32>
    %get3A_847 = vector.shape_cast %get3A_846 : vector<1x96x288xf32> to vector<96x288xf32>
    %dot_general3A_848 = arith.constant dense<0.000000e+00> : vector<96x112xf32>
    %dot_general3A_849 = tpu.matmul %get3A_847, %slice3A_834, %dot_general3A_848 {dimension_numbers = #tpu.dot_dimension_numbers<[1], [0], [0], [1], [0, 0, 1, 1], [], []>, transpose_lhs_hint = false} : vector<96x288xf32>, vector<288x112xf32>, vector<96x112xf32> -> vector<96x112xf32>
    %get3A_850 = arith.constant 2 : index
    %get3A_851 = arith.constant 0 : index
    %get3A_852 = arith.constant 0 : index
    %get3A_853 = vector.load %arg36[%get3A_850, %get3A_851, %get3A_852] : memref<3x96x288xf32, #tpu.memory_space<vmem>>, vector<1x96x288xf32>
    %get3A_854 = vector.shape_cast %get3A_853 : vector<1x96x288xf32> to vector<96x288xf32>
    %dot_general3A_855 = arith.constant dense<0.000000e+00> : vector<96x112xf32>
    %dot_general3A_856 = tpu.matmul %get3A_854, %slice3A_835, %dot_general3A_855 {dimension_numbers = #tpu.dot_dimension_numbers<[1], [0], [0], [1], [0, 0, 1, 1], [], []>, transpose_lhs_hint = false} : vector<96x288xf32>, vector<288x112xf32>, vector<96x112xf32> -> vector<96x112xf32>
    %jit3A_857 = arith.constant 0 : i32
    %convert_element_type3A_858 = arith.sitofp %jit3A_857 : i32 to f32
    %pad3A_859 = vector.broadcast %convert_element_type3A_858 : f32 to vector<96x1xf32>
    %pad3A_860 = tpu.concatenate %pad3A_859, %dot_general3A_842 in 1 : vector<96x1xf32>, vector<96x112xf32> -> vector<96x113xf32>
    %slice3A_861 = vector.extract_strided_slice %pad3A_860 {offsets = [0, 0], sizes = [96, 112], strides = [1, 1]} : vector<96x113xf32> to vector<96x112xf32>
    %add3A_862 = arith.addf %dot_general3A_849, %dot_general3A_856 : vector<96x112xf32>
    %add3A_863 = arith.addf %add3A_862, %slice3A_861 : vector<96x112xf32>
    %get3A_864 = arith.constant 0 : index
    %get3A_865 = arith.constant 0 : index
    %get3A_866 = vector.load %arg37[%get3A_864, %get3A_865] : memref<96x1xf32, #tpu.memory_space<vmem>>, vector<96x1xf32>
    %add3A_867 = vector.broadcast %get3A_866 : vector<96x1xf32> to vector<96x112xf32>
    %add3A_868 = arith.addf %add3A_863, %add3A_867 : vector<96x112xf32>
    %swap3A_869 = arith.constant 0 : index
    %swap3A_870 = arith.constant 0 : index
    %swap3A_871 = arith.constant 14 : index
    %swap3A_872 = arith.constant 0 : index
    %swap3A_873 = arith.constant 0 : index
    %swap3A_874 = vector.load %arg38[%swap3A_869, %swap3A_870, %swap3A_871, %swap3A_872, %swap3A_873] : memref<1x96x16x1x112xf32, #tpu.memory_space<vmem>>, vector<1x96x1x1x112xf32>
    %swap3A_875 = vector.shape_cast %swap3A_874 : vector<1x96x1x1x112xf32> to vector<96x112xf32>
    %swap3A_876 = vector.shape_cast %add3A_868 : vector<96x112xf32> to vector<1x96x1x1x112xf32>
    tpu.vector_store %arg38[%swap3A_869, %swap3A_870, %swap3A_871, %swap3A_872, %swap3A_873], %swap3A_876 {strides = array<i32>} : memref<1x96x16x1x112xf32, #tpu.memory_space<vmem>>, vector<1x96x1x1x112xf32>,
    %slice3A_877 = vector.extract_strided_slice %dot_general3A_236 {offsets = [4320, 0], sizes = [288, 112], strides = [1, 1]} : vector<4608x256xf32> to vector<288x112xf32>
    %slice3A_878 = vector.extract_strided_slice %dot_general3A_236 {offsets = [4320, 128], sizes = [288, 112], strides = [1, 1]} : vector<4608x256xf32> to vector<288x112xf32>
    %get3A_879 = arith.constant 0 : index
    %get3A_880 = arith.constant 0 : index
    %get3A_881 = arith.constant 0 : index
    %get3A_882 = vector.load %arg36[%get3A_879, %get3A_880, %get3A_881] : memref<3x96x288xf32, #tpu.memory_space<vmem>>, vector<1x96x288xf32>
    %get3A_883 = vector.shape_cast %get3A_882 : vector<1x96x288xf32> to vector<96x288xf32>
    %dot_general3A_884 = arith.constant dense<0.000000e+00> : vector<96x112xf32>
    %dot_general3A_885 = tpu.matmul %get3A_883, %slice3A_878, %dot_general3A_884 {dimension_numbers = #tpu.dot_dimension_numbers<[1], [0], [0], [1], [0, 0, 1, 1], [], []>, transpose_lhs_hint = false} : vector<96x288xf32>, vector<288x112xf32>, vector<96x112xf32> -> vector<96x112xf32>
    %get3A_886 = arith.constant 1 : index
    %get3A_887 = arith.constant 0 : index
    %get3A_888 = arith.constant 0 : index
    %get3A_889 = vector.load %arg36[%get3A_886, %get3A_887, %get3A_888] : memref<3x96x288xf32, #tpu.memory_space<vmem>>, vector<1x96x288xf32>
    %get3A_890 = vector.shape_cast %get3A_889 : vector<1x96x288xf32> to vector<96x288xf32>
    %dot_general3A_891 = arith.constant dense<0.000000e+00> : vector<96x112xf32>
    %dot_general3A_892 = tpu.matmul %get3A_890, %slice3A_877, %dot_general3A_891 {dimension_numbers = #tpu.dot_dimension_numbers<[1], [0], [0], [1], [0, 0, 1, 1], [], []>, transpose_lhs_hint = false} : vector<96x288xf32>, vector<288x112xf32>, vector<96x112xf32> -> vector<96x112xf32>
    %get3A_893 = arith.constant 2 : index
    %get3A_894 = arith.constant 0 : index
    %get3A_895 = arith.constant 0 : index
    %get3A_896 = vector.load %arg36[%get3A_893, %get3A_894, %get3A_895] : memref<3x96x288xf32, #tpu.memory_space<vmem>>, vector<1x96x288xf32>
    %get3A_897 = vector.shape_cast %get3A_896 : vector<1x96x288xf32> to vector<96x288xf32>
    %dot_general3A_898 = arith.constant dense<0.000000e+00> : vector<96x112xf32>
    %dot_general3A_899 = tpu.matmul %get3A_897, %slice3A_878, %dot_general3A_898 {dimension_numbers = #tpu.dot_dimension_numbers<[1], [0], [0], [1], [0, 0, 1, 1], [], []>, transpose_lhs_hint = false} : vector<96x288xf32>, vector<288x112xf32>, vector<96x112xf32> -> vector<96x112xf32>
    %jit3A_900 = arith.constant 0 : i32
    %convert_element_type3A_901 = arith.sitofp %jit3A_900 : i32 to f32
    %pad3A_902 = vector.broadcast %convert_element_type3A_901 : f32 to vector<96x1xf32>
    %pad3A_903 = tpu.concatenate %pad3A_902, %dot_general3A_885 in 1 : vector<96x1xf32>, vector<96x112xf32> -> vector<96x113xf32>
    %slice3A_904 = vector.extract_strided_slice %pad3A_903 {offsets = [0, 0], sizes = [96, 112], strides = [1, 1]} : vector<96x113xf32> to vector<96x112xf32>
    %add3A_905 = arith.addf %dot_general3A_892, %dot_general3A_899 : vector<96x112xf32>
    %add3A_906 = arith.addf %add3A_905, %slice3A_904 : vector<96x112xf32>
    %get3A_907 = arith.constant 0 : index
    %get3A_908 = arith.constant 0 : index
    %get3A_909 = vector.load %arg37[%get3A_907, %get3A_908] : memref<96x1xf32, #tpu.memory_space<vmem>>, vector<96x1xf32>
    %add3A_910 = vector.broadcast %get3A_909 : vector<96x1xf32> to vector<96x112xf32>
    %add3A_911 = arith.addf %add3A_906, %add3A_910 : vector<96x112xf32>
    %swap3A_912 = arith.constant 0 : index
    %swap3A_913 = arith.constant 0 : index
    %swap3A_914 = arith.constant 15 : index
    %swap3A_915 = arith.constant 0 : index
    %swap3A_916 = arith.constant 0 : index
    %swap3A_917 = vector.load %arg38[%swap3A_912, %swap3A_913, %swap3A_914, %swap3A_915, %swap3A_916] : memref<1x96x16x1x112xf32, #tpu.memory_space<vmem>>, vector<1x96x1x1x112xf32>
    %swap3A_918 = vector.shape_cast %swap3A_917 : vector<1x96x1x1x112xf32> to vector<96x112xf32>
    %swap3A_919 = vector.shape_cast %add3A_911 : vector<96x112xf32> to vector<1x96x1x1x112xf32>
    tpu.vector_store %arg38[%swap3A_912, %swap3A_913, %swap3A_914, %swap3A_915, %swap3A_916], %swap3A_919 {strides = array<i32>} : memref<1x96x16x1x112xf32, #tpu.memory_space<vmem>>, vector<1x96x1x1x112xf32>,
    return
  }
  func.func @transform_0(%arg0: i32, %arg1: i32) -> (i32, i32, i32, i32, i32) {
    %mul3A = arith.constant 32 : i32
    %mul3A_0 = arith.muli %mul3A, %arg1 : i32
    %add3A = arith.constant 0 : i32
    %add3A_1 = arith.addi %mul3A_0, %add3A : i32
    %sub3A = arith.constant 1 : i32
    %sub3A_2 = arith.subi %add3A_1, %sub3A : i32
    %max3A = arith.constant 0 : i32
    %max3A_3 = arith.maxsi %sub3A_2, %max3A : i32
    %c0_i32 = arith.constant 0 : i32
    %c0_i32_4 = arith.constant 0 : i32
    %c0_i32_5 = arith.constant 0 : i32
    %c0_i32_6 = arith.constant 0 : i32
    return %arg0, %c0_i32, %max3A_3, %c0_i32_4, %c0_i32_5 : i32, i32, i32, i32, i32
  }
  func.func @transform_1(%arg0: i32, %arg1: i32) -> (i32, i32, i32, i32, i32) {
    %mul3A = arith.constant 32 : i32
    %mul3A_0 = arith.muli %mul3A, %arg1 : i32
    %add3A = arith.constant 1 : i32
    %add3A_1 = arith.addi %mul3A_0, %add3A : i32
    %sub3A = arith.constant 1 : i32
    %sub3A_2 = arith.subi %add3A_1, %sub3A : i32
    %max3A = arith.constant 0 : i32
    %max3A_3 = arith.maxsi %sub3A_2, %max3A : i32
    %c0_i32 = arith.constant 0 : i32
    %c0_i32_4 = arith.constant 0 : i32
    %c0_i32_5 = arith.constant 0 : i32
    %c0_i32_6 = arith.constant 0 : i32
    return %arg0, %c0_i32, %max3A_3, %c0_i32_4, %c0_i32_5 : i32, i32, i32, i32, i32
  }
  func.func @transform_2(%arg0: i32, %arg1: i32) -> (i32, i32, i32, i32, i32) {
    %mul3A = arith.constant 32 : i32
    %mul3A_0 = arith.muli %mul3A, %arg1 : i32
    %add3A = arith.constant 2 : i32
    %add3A_1 = arith.addi %mul3A_0, %add3A : i32
    %sub3A = arith.constant 1 : i32
    %sub3A_2 = arith.subi %add3A_1, %sub3A : i32
    %max3A = arith.constant 0 : i32
    %max3A_3 = arith.maxsi %sub3A_2, %max3A : i32
    %c0_i32 = arith.constant 0 : i32
    %c0_i32_4 = arith.constant 0 : i32
    %c0_i32_5 = arith.constant 0 : i32
    %c0_i32_6 = arith.constant 0 : i32
    return %arg0, %c0_i32, %max3A_3, %c0_i32_4, %c0_i32_5 : i32, i32, i32, i32, i32
  }
  func.func @transform_3(%arg0: i32, %arg1: i32) -> (i32, i32, i32, i32, i32) {
    %mul3A = arith.constant 32 : i32
    %mul3A_0 = arith.muli %mul3A, %arg1 : i32
    %add3A = arith.constant 3 : i32
    %add3A_1 = arith.addi %mul3A_0, %add3A : i32
    %sub3A = arith.constant 1 : i32
    %sub3A_2 = arith.subi %add3A_1, %sub3A : i32
    %max3A = arith.constant 0 : i32
    %max3A_3 = arith.maxsi %sub3A_2, %max3A : i32
    %c0_i32 = arith.constant 0 : i32
    %c0_i32_4 = arith.constant 0 : i32
    %c0_i32_5 = arith.constant 0 : i32
    %c0_i32_6 = arith.constant 0 : i32
    return %arg0, %c0_i32, %max3A_3, %c0_i32_4, %c0_i32_5 : i32, i32, i32, i32, i32
  }
  func.func @transform_4(%arg0: i32, %arg1: i32) -> (i32, i32, i32, i32, i32) {
    %mul3A = arith.constant 32 : i32
    %mul3A_0 = arith.muli %mul3A, %arg1 : i32
    %add3A = arith.constant 4 : i32
    %add3A_1 = arith.addi %mul3A_0, %add3A : i32
    %sub3A = arith.constant 1 : i32
    %sub3A_2 = arith.subi %add3A_1, %sub3A : i32
    %max3A = arith.constant 0 : i32
    %max3A_3 = arith.maxsi %sub3A_2, %max3A : i32
    %c0_i32 = arith.constant 0 : i32
    %c0_i32_4 = arith.constant 0 : i32
    %c0_i32_5 = arith.constant 0 : i32
    %c0_i32_6 = arith.constant 0 : i32
    return %arg0, %c0_i32, %max3A_3, %c0_i32_4, %c0_i32_5 : i32, i32, i32, i32, i32
  }
  func.func @transform_5(%arg0: i32, %arg1: i32) -> (i32, i32, i32, i32, i32) {
    %mul3A = arith.constant 32 : i32
    %mul3A_0 = arith.muli %mul3A, %arg1 : i32
    %add3A = arith.constant 5 : i32
    %add3A_1 = arith.addi %mul3A_0, %add3A : i32
    %sub3A = arith.constant 1 : i32
    %sub3A_2 = arith.subi %add3A_1, %sub3A : i32
    %max3A = arith.constant 0 : i32
    %max3A_3 = arith.maxsi %sub3A_2, %max3A : i32
    %c0_i32 = arith.constant 0 : i32
    %c0_i32_4 = arith.constant 0 : i32
    %c0_i32_5 = arith.constant 0 : i32
    %c0_i32_6 = arith.constant 0 : i32
    return %arg0, %c0_i32, %max3A_3, %c0_i32_4, %c0_i32_5 : i32, i32, i32, i32, i32
  }
  func.func @transform_6(%arg0: i32, %arg1: i32) -> (i32, i32, i32, i32, i32) {
    %mul3A = arith.constant 32 : i32
    %mul3A_0 = arith.muli %mul3A, %arg1 : i32
    %add3A = arith.constant 6 : i32
    %add3A_1 = arith.addi %mul3A_0, %add3A : i32
    %sub3A = arith.constant 1 : i32
    %sub3A_2 = arith.subi %add3A_1, %sub3A : i32
    %max3A = arith.constant 0 : i32
    %max3A_3 = arith.maxsi %sub3A_2, %max3A : i32
    %c0_i32 = arith.constant 0 : i32
    %c0_i32_4 = arith.constant 0 : i32
    %c0_i32_5 = arith.constant 0 : i32
    %c0_i32_6 = arith.constant 0 : i32
    return %arg0, %c0_i32, %max3A_3, %c0_i32_4, %c0_i32_5 : i32, i32, i32, i32, i32
  }
  func.func @transform_7(%arg0: i32, %arg1: i32) -> (i32, i32, i32, i32, i32) {
    %mul3A = arith.constant 32 : i32
    %mul3A_0 = arith.muli %mul3A, %arg1 : i32
    %add3A = arith.constant 7 : i32
    %add3A_1 = arith.addi %mul3A_0, %add3A : i32
    %sub3A = arith.constant 1 : i32
    %sub3A_2 = arith.subi %add3A_1, %sub3A : i32
    %max3A = arith.constant 0 : i32
    %max3A_3 = arith.maxsi %sub3A_2, %max3A : i32
    %c0_i32 = arith.constant 0 : i32
    %c0_i32_4 = arith.constant 0 : i32
    %c0_i32_5 = arith.constant 0 : i32
    %c0_i32_6 = arith.constant 0 : i32
    return %arg0, %c0_i32, %max3A_3, %c0_i32_4, %c0_i32_5 : i32, i32, i32, i32, i32
  }
  func.func @transform_8(%arg0: i32, %arg1: i32) -> (i32, i32, i32, i32, i32) {
    %mul3A = arith.constant 32 : i32
    %mul3A_0 = arith.muli %mul3A, %arg1 : i32
    %add3A = arith.constant 8 : i32
    %add3A_1 = arith.addi %mul3A_0, %add3A : i32
    %sub3A = arith.constant 1 : i32
    %sub3A_2 = arith.subi %add3A_1, %sub3A : i32
    %max3A = arith.constant 0 : i32
    %max3A_3 = arith.maxsi %sub3A_2, %max3A : i32
    %c0_i32 = arith.constant 0 : i32
    %c0_i32_4 = arith.constant 0 : i32
    %c0_i32_5 = arith.constant 0 : i32
    %c0_i32_6 = arith.constant 0 : i32
    return %arg0, %c0_i32, %max3A_3, %c0_i32_4, %c0_i32_5 : i32, i32, i32, i32, i32
  }
  func.func @transform_9(%arg0: i32, %arg1: i32) -> (i32, i32, i32, i32, i32) {
    %mul3A = arith.constant 32 : i32
    %mul3A_0 = arith.muli %mul3A, %arg1 : i32
    %add3A = arith.constant 9 : i32
    %add3A_1 = arith.addi %mul3A_0, %add3A : i32
    %sub3A = arith.constant 1 : i32
    %sub3A_2 = arith.subi %add3A_1, %sub3A : i32
    %max3A = arith.constant 0 : i32
    %max3A_3 = arith.maxsi %sub3A_2, %max3A : i32
    %c0_i32 = arith.constant 0 : i32
    %c0_i32_4 = arith.constant 0 : i32
    %c0_i32_5 = arith.constant 0 : i32
    %c0_i32_6 = arith.constant 0 : i32
    return %arg0, %c0_i32, %max3A_3, %c0_i32_4, %c0_i32_5 : i32, i32, i32, i32, i32
  }
  func.func @transform_10(%arg0: i32, %arg1: i32) -> (i32, i32, i32, i32, i32) {
    %mul3A = arith.constant 32 : i32
    %mul3A_0 = arith.muli %mul3A, %arg1 : i32
    %add3A = arith.constant 10 : i32
    %add3A_1 = arith.addi %mul3A_0, %add3A : i32
    %sub3A = arith.constant 1 : i32
    %sub3A_2 = arith.subi %add3A_1, %sub3A : i32
    %max3A = arith.constant 0 : i32
    %max3A_3 = arith.maxsi %sub3A_2, %max3A : i32
    %c0_i32 = arith.constant 0 : i32
    %c0_i32_4 = arith.constant 0 : i32
    %c0_i32_5 = arith.constant 0 : i32
    %c0_i32_6 = arith.constant 0 : i32
    return %arg0, %c0_i32, %max3A_3, %c0_i32_4, %c0_i32_5 : i32, i32, i32, i32, i32
  }
  func.func @transform_11(%arg0: i32, %arg1: i32) -> (i32, i32, i32, i32, i32) {
    %mul3A = arith.constant 32 : i32
    %mul3A_0 = arith.muli %mul3A, %arg1 : i32
    %add3A = arith.constant 11 : i32
    %add3A_1 = arith.addi %mul3A_0, %add3A : i32
    %sub3A = arith.constant 1 : i32
    %sub3A_2 = arith.subi %add3A_1, %sub3A : i32
    %max3A = arith.constant 0 : i32
    %max3A_3 = arith.maxsi %sub3A_2, %max3A : i32
    %c0_i32 = arith.constant 0 : i32
    %c0_i32_4 = arith.constant 0 : i32
    %c0_i32_5 = arith.constant 0 : i32
    %c0_i32_6 = arith.constant 0 : i32
    return %arg0, %c0_i32, %max3A_3, %c0_i32_4, %c0_i32_5 : i32, i32, i32, i32, i32
  }
  func.func @transform_12(%arg0: i32, %arg1: i32) -> (i32, i32, i32, i32, i32) {
    %mul3A = arith.constant 32 : i32
    %mul3A_0 = arith.muli %mul3A, %arg1 : i32
    %add3A = arith.constant 12 : i32
    %add3A_1 = arith.addi %mul3A_0, %add3A : i32
    %sub3A = arith.constant 1 : i32
    %sub3A_2 = arith.subi %add3A_1, %sub3A : i32
    %max3A = arith.constant 0 : i32
    %max3A_3 = arith.maxsi %sub3A_2, %max3A : i32
    %c0_i32 = arith.constant 0 : i32
    %c0_i32_4 = arith.constant 0 : i32
    %c0_i32_5 = arith.constant 0 : i32
    %c0_i32_6 = arith.constant 0 : i32
    return %arg0, %c0_i32, %max3A_3, %c0_i32_4, %c0_i32_5 : i32, i32, i32, i32, i32
  }
  func.func @transform_13(%arg0: i32, %arg1: i32) -> (i32, i32, i32, i32, i32) {
    %mul3A = arith.constant 32 : i32
    %mul3A_0 = arith.muli %mul3A, %arg1 : i32
    %add3A = arith.constant 13 : i32
    %add3A_1 = arith.addi %mul3A_0, %add3A : i32
    %sub3A = arith.constant 1 : i32
    %sub3A_2 = arith.subi %add3A_1, %sub3A : i32
    %max3A = arith.constant 0 : i32
    %max3A_3 = arith.maxsi %sub3A_2, %max3A : i32
    %c0_i32 = arith.constant 0 : i32
    %c0_i32_4 = arith.constant 0 : i32
    %c0_i32_5 = arith.constant 0 : i32
    %c0_i32_6 = arith.constant 0 : i32
    return %arg0, %c0_i32, %max3A_3, %c0_i32_4, %c0_i32_5 : i32, i32, i32, i32, i32
  }
  func.func @transform_14(%arg0: i32, %arg1: i32) -> (i32, i32, i32, i32, i32) {
    %mul3A = arith.constant 32 : i32
    %mul3A_0 = arith.muli %mul3A, %arg1 : i32
    %add3A = arith.constant 14 : i32
    %add3A_1 = arith.addi %mul3A_0, %add3A : i32
    %sub3A = arith.constant 1 : i32
    %sub3A_2 = arith.subi %add3A_1, %sub3A : i32
    %max3A = arith.constant 0 : i32
    %max3A_3 = arith.maxsi %sub3A_2, %max3A : i32
    %c0_i32 = arith.constant 0 : i32
    %c0_i32_4 = arith.constant 0 : i32
    %c0_i32_5 = arith.constant 0 : i32
    %c0_i32_6 = arith.constant 0 : i32
    return %arg0, %c0_i32, %max3A_3, %c0_i32_4, %c0_i32_5 : i32, i32, i32, i32, i32
  }
  func.func @transform_15(%arg0: i32, %arg1: i32) -> (i32, i32, i32, i32, i32) {
    %mul3A = arith.constant 32 : i32
    %mul3A_0 = arith.muli %mul3A, %arg1 : i32
    %add3A = arith.constant 15 : i32
    %add3A_1 = arith.addi %mul3A_0, %add3A : i32
    %sub3A = arith.constant 1 : i32
    %sub3A_2 = arith.subi %add3A_1, %sub3A : i32
    %max3A = arith.constant 0 : i32
    %max3A_3 = arith.maxsi %sub3A_2, %max3A : i32
    %c0_i32 = arith.constant 0 : i32
    %c0_i32_4 = arith.constant 0 : i32
    %c0_i32_5 = arith.constant 0 : i32
    %c0_i32_6 = arith.constant 0 : i32
    return %arg0, %c0_i32, %max3A_3, %c0_i32_4, %c0_i32_5 : i32, i32, i32, i32, i32
  }
  func.func @transform_16(%arg0: i32, %arg1: i32) -> (i32, i32, i32, i32, i32) {
    %mul3A = arith.constant 32 : i32
    %mul3A_0 = arith.muli %mul3A, %arg1 : i32
    %add3A = arith.constant 16 : i32
    %add3A_1 = arith.addi %mul3A_0, %add3A : i32
    %sub3A = arith.constant 1 : i32
    %sub3A_2 = arith.subi %add3A_1, %sub3A : i32
    %max3A = arith.constant 0 : i32
    %max3A_3 = arith.maxsi %sub3A_2, %max3A : i32
    %c0_i32 = arith.constant 0 : i32
    %c0_i32_4 = arith.constant 0 : i32
    %c0_i32_5 = arith.constant 0 : i32
    %c0_i32_6 = arith.constant 0 : i32
    return %arg0, %c0_i32, %max3A_3, %c0_i32_4, %c0_i32_5 : i32, i32, i32, i32, i32
  }
  func.func @transform_17(%arg0: i32, %arg1: i32) -> (i32, i32, i32, i32, i32) {
    %mul3A = arith.constant 32 : i32
    %mul3A_0 = arith.muli %mul3A, %arg1 : i32
    %add3A = arith.constant 17 : i32
    %add3A_1 = arith.addi %mul3A_0, %add3A : i32
    %sub3A = arith.constant 1 : i32
    %sub3A_2 = arith.subi %add3A_1, %sub3A : i32
    %max3A = arith.constant 0 : i32
    %max3A_3 = arith.maxsi %sub3A_2, %max3A : i32
    %c0_i32 = arith.constant 0 : i32
    %c0_i32_4 = arith.constant 0 : i32
    %c0_i32_5 = arith.constant 0 : i32
    %c0_i32_6 = arith.constant 0 : i32
    return %arg0, %c0_i32, %max3A_3, %c0_i32_4, %c0_i32_5 : i32, i32, i32, i32, i32
  }
  func.func @transform_18(%arg0: i32, %arg1: i32) -> (i32, i32, i32, i32, i32) {
    %mul3A = arith.constant 32 : i32
    %mul3A_0 = arith.muli %mul3A, %arg1 : i32
    %add3A = arith.constant 18 : i32
    %add3A_1 = arith.addi %mul3A_0, %add3A : i32
    %sub3A = arith.constant 1 : i32
    %sub3A_2 = arith.subi %add3A_1, %sub3A : i32
    %max3A = arith.constant 0 : i32
    %max3A_3 = arith.maxsi %sub3A_2, %max3A : i32
    %c0_i32 = arith.constant 0 : i32
    %c0_i32_4 = arith.constant 0 : i32
    %c0_i32_5 = arith.constant 0 : i32
    %c0_i32_6 = arith.constant 0 : i32
    return %arg0, %c0_i32, %max3A_3, %c0_i32_4, %c0_i32_5 : i32, i32, i32, i32, i32
  }
  func.func @transform_19(%arg0: i32, %arg1: i32) -> (i32, i32, i32, i32, i32) {
    %mul3A = arith.constant 32 : i32
    %mul3A_0 = arith.muli %mul3A, %arg1 : i32
    %add3A = arith.constant 19 : i32
    %add3A_1 = arith.addi %mul3A_0, %add3A : i32
    %sub3A = arith.constant 1 : i32
    %sub3A_2 = arith.subi %add3A_1, %sub3A : i32
    %max3A = arith.constant 0 : i32
    %max3A_3 = arith.maxsi %sub3A_2, %max3A : i32
    %c0_i32 = arith.constant 0 : i32
    %c0_i32_4 = arith.constant 0 : i32
    %c0_i32_5 = arith.constant 0 : i32
    %c0_i32_6 = arith.constant 0 : i32
    return %arg0, %c0_i32, %max3A_3, %c0_i32_4, %c0_i32_5 : i32, i32, i32, i32, i32
  }
  func.func @transform_20(%arg0: i32, %arg1: i32) -> (i32, i32, i32, i32, i32) {
    %mul3A = arith.constant 32 : i32
    %mul3A_0 = arith.muli %mul3A, %arg1 : i32
    %add3A = arith.constant 20 : i32
    %add3A_1 = arith.addi %mul3A_0, %add3A : i32
    %sub3A = arith.constant 1 : i32
    %sub3A_2 = arith.subi %add3A_1, %sub3A : i32
    %max3A = arith.constant 0 : i32
    %max3A_3 = arith.maxsi %sub3A_2, %max3A : i32
    %c0_i32 = arith.constant 0 : i32
    %c0_i32_4 = arith.constant 0 : i32
    %c0_i32_5 = arith.constant 0 : i32
    %c0_i32_6 = arith.constant 0 : i32
    return %arg0, %c0_i32, %max3A_3, %c0_i32_4, %c0_i32_5 : i32, i32, i32, i32, i32
  }
  func.func @transform_21(%arg0: i32, %arg1: i32) -> (i32, i32, i32, i32, i32) {
    %mul3A = arith.constant 32 : i32
    %mul3A_0 = arith.muli %mul3A, %arg1 : i32
    %add3A = arith.constant 21 : i32
    %add3A_1 = arith.addi %mul3A_0, %add3A : i32
    %sub3A = arith.constant 1 : i32
    %sub3A_2 = arith.subi %add3A_1, %sub3A : i32
    %max3A = arith.constant 0 : i32
    %max3A_3 = arith.maxsi %sub3A_2, %max3A : i32
    %c0_i32 = arith.constant 0 : i32
    %c0_i32_4 = arith.constant 0 : i32
    %c0_i32_5 = arith.constant 0 : i32
    %c0_i32_6 = arith.constant 0 : i32
    return %arg0, %c0_i32, %max3A_3, %c0_i32_4, %c0_i32_5 : i32, i32, i32, i32, i32
  }
  func.func @transform_22(%arg0: i32, %arg1: i32) -> (i32, i32, i32, i32, i32) {
    %mul3A = arith.constant 32 : i32
    %mul3A_0 = arith.muli %mul3A, %arg1 : i32
    %add3A = arith.constant 22 : i32
    %add3A_1 = arith.addi %mul3A_0, %add3A : i32
    %sub3A = arith.constant 1 : i32
    %sub3A_2 = arith.subi %add3A_1, %sub3A : i32
    %max3A = arith.constant 0 : i32
    %max3A_3 = arith.maxsi %sub3A_2, %max3A : i32
    %c0_i32 = arith.constant 0 : i32
    %c0_i32_4 = arith.constant 0 : i32
    %c0_i32_5 = arith.constant 0 : i32
    %c0_i32_6 = arith.constant 0 : i32
    return %arg0, %c0_i32, %max3A_3, %c0_i32_4, %c0_i32_5 : i32, i32, i32, i32, i32
  }
  func.func @transform_23(%arg0: i32, %arg1: i32) -> (i32, i32, i32, i32, i32) {
    %mul3A = arith.constant 32 : i32
    %mul3A_0 = arith.muli %mul3A, %arg1 : i32
    %add3A = arith.constant 23 : i32
    %add3A_1 = arith.addi %mul3A_0, %add3A : i32
    %sub3A = arith.constant 1 : i32
    %sub3A_2 = arith.subi %add3A_1, %sub3A : i32
    %max3A = arith.constant 0 : i32
    %max3A_3 = arith.maxsi %sub3A_2, %max3A : i32
    %c0_i32 = arith.constant 0 : i32
    %c0_i32_4 = arith.constant 0 : i32
    %c0_i32_5 = arith.constant 0 : i32
    %c0_i32_6 = arith.constant 0 : i32
    return %arg0, %c0_i32, %max3A_3, %c0_i32_4, %c0_i32_5 : i32, i32, i32, i32, i32
  }
  func.func @transform_24(%arg0: i32, %arg1: i32) -> (i32, i32, i32, i32, i32) {
    %mul3A = arith.constant 32 : i32
    %mul3A_0 = arith.muli %mul3A, %arg1 : i32
    %add3A = arith.constant 24 : i32
    %add3A_1 = arith.addi %mul3A_0, %add3A : i32
    %sub3A = arith.constant 1 : i32
    %sub3A_2 = arith.subi %add3A_1, %sub3A : i32
    %max3A = arith.constant 0 : i32
    %max3A_3 = arith.maxsi %sub3A_2, %max3A : i32
    %c0_i32 = arith.constant 0 : i32
    %c0_i32_4 = arith.constant 0 : i32
    %c0_i32_5 = arith.constant 0 : i32
    %c0_i32_6 = arith.constant 0 : i32
    return %arg0, %c0_i32, %max3A_3, %c0_i32_4, %c0_i32_5 : i32, i32, i32, i32, i32
  }
  func.func @transform_25(%arg0: i32, %arg1: i32) -> (i32, i32, i32, i32, i32) {
    %mul3A = arith.constant 32 : i32
    %mul3A_0 = arith.muli %mul3A, %arg1 : i32
    %add3A = arith.constant 25 : i32
    %add3A_1 = arith.addi %mul3A_0, %add3A : i32
    %sub3A = arith.constant 1 : i32
    %sub3A_2 = arith.subi %add3A_1, %sub3A : i32
    %max3A = arith.constant 0 : i32
    %max3A_3 = arith.maxsi %sub3A_2, %max3A : i32
    %c0_i32 = arith.constant 0 : i32
    %c0_i32_4 = arith.constant 0 : i32
    %c0_i32_5 = arith.constant 0 : i32
    %c0_i32_6 = arith.constant 0 : i32
    return %arg0, %c0_i32, %max3A_3, %c0_i32_4, %c0_i32_5 : i32, i32, i32, i32, i32
  }
  func.func @transform_26(%arg0: i32, %arg1: i32) -> (i32, i32, i32, i32, i32) {
    %mul3A = arith.constant 32 : i32
    %mul3A_0 = arith.muli %mul3A, %arg1 : i32
    %add3A = arith.constant 26 : i32
    %add3A_1 = arith.addi %mul3A_0, %add3A : i32
    %sub3A = arith.constant 1 : i32
    %sub3A_2 = arith.subi %add3A_1, %sub3A : i32
    %max3A = arith.constant 0 : i32
    %max3A_3 = arith.maxsi %sub3A_2, %max3A : i32
    %c0_i32 = arith.constant 0 : i32
    %c0_i32_4 = arith.constant 0 : i32
    %c0_i32_5 = arith.constant 0 : i32
    %c0_i32_6 = arith.constant 0 : i32
    return %arg0, %c0_i32, %max3A_3, %c0_i32_4, %c0_i32_5 : i32, i32, i32, i32, i32
  }
  func.func @transform_27(%arg0: i32, %arg1: i32) -> (i32, i32, i32, i32, i32) {
    %mul3A = arith.constant 32 : i32
    %mul3A_0 = arith.muli %mul3A, %arg1 : i32
    %add3A = arith.constant 27 : i32
    %add3A_1 = arith.addi %mul3A_0, %add3A : i32
    %sub3A = arith.constant 1 : i32
    %sub3A_2 = arith.subi %add3A_1, %sub3A : i32
    %max3A = arith.constant 0 : i32
    %max3A_3 = arith.maxsi %sub3A_2, %max3A : i32
    %c0_i32 = arith.constant 0 : i32
    %c0_i32_4 = arith.constant 0 : i32
    %c0_i32_5 = arith.constant 0 : i32
    %c0_i32_6 = arith.constant 0 : i32
    return %arg0, %c0_i32, %max3A_3, %c0_i32_4, %c0_i32_5 : i32, i32, i32, i32, i32
  }
  func.func @transform_28(%arg0: i32, %arg1: i32) -> (i32, i32, i32, i32, i32) {
    %mul3A = arith.constant 32 : i32
    %mul3A_0 = arith.muli %mul3A, %arg1 : i32
    %add3A = arith.constant 28 : i32
    %add3A_1 = arith.addi %mul3A_0, %add3A : i32
    %sub3A = arith.constant 1 : i32
    %sub3A_2 = arith.subi %add3A_1, %sub3A : i32
    %max3A = arith.constant 0 : i32
    %max3A_3 = arith.maxsi %sub3A_2, %max3A : i32
    %c0_i32 = arith.constant 0 : i32
    %c0_i32_4 = arith.constant 0 : i32
    %c0_i32_5 = arith.constant 0 : i32
    %c0_i32_6 = arith.constant 0 : i32
    return %arg0, %c0_i32, %max3A_3, %c0_i32_4, %c0_i32_5 : i32, i32, i32, i32, i32
  }
  func.func @transform_29(%arg0: i32, %arg1: i32) -> (i32, i32, i32, i32, i32) {
    %mul3A = arith.constant 32 : i32
    %mul3A_0 = arith.muli %mul3A, %arg1 : i32
    %add3A = arith.constant 29 : i32
    %add3A_1 = arith.addi %mul3A_0, %add3A : i32
    %sub3A = arith.constant 1 : i32
    %sub3A_2 = arith.subi %add3A_1, %sub3A : i32
    %max3A = arith.constant 0 : i32
    %max3A_3 = arith.maxsi %sub3A_2, %max3A : i32
    %c0_i32 = arith.constant 0 : i32
    %c0_i32_4 = arith.constant 0 : i32
    %c0_i32_5 = arith.constant 0 : i32
    %c0_i32_6 = arith.constant 0 : i32
    return %arg0, %c0_i32, %max3A_3, %c0_i32_4, %c0_i32_5 : i32, i32, i32, i32, i32
  }
  func.func @transform_30(%arg0: i32, %arg1: i32) -> (i32, i32, i32, i32, i32) {
    %mul3A = arith.constant 32 : i32
    %mul3A_0 = arith.muli %mul3A, %arg1 : i32
    %add3A = arith.constant 30 : i32
    %add3A_1 = arith.addi %mul3A_0, %add3A : i32
    %sub3A = arith.constant 1 : i32
    %sub3A_2 = arith.subi %add3A_1, %sub3A : i32
    %max3A = arith.constant 0 : i32
    %max3A_3 = arith.maxsi %sub3A_2, %max3A : i32
    %c0_i32 = arith.constant 0 : i32
    %c0_i32_4 = arith.constant 0 : i32
    %c0_i32_5 = arith.constant 0 : i32
    %c0_i32_6 = arith.constant 0 : i32
    return %arg0, %c0_i32, %max3A_3, %c0_i32_4, %c0_i32_5 : i32, i32, i32, i32, i32
  }
  func.func @transform_31(%arg0: i32, %arg1: i32) -> (i32, i32, i32, i32, i32) {
    %mul3A = arith.constant 32 : i32
    %mul3A_0 = arith.muli %mul3A, %arg1 : i32
    %add3A = arith.constant 31 : i32
    %add3A_1 = arith.addi %mul3A_0, %add3A : i32
    %sub3A = arith.constant 1 : i32
    %sub3A_2 = arith.subi %add3A_1, %sub3A : i32
    %max3A = arith.constant 0 : i32
    %max3A_3 = arith.maxsi %sub3A_2, %max3A : i32
    %c0_i32 = arith.constant 0 : i32
    %c0_i32_4 = arith.constant 0 : i32
    %c0_i32_5 = arith.constant 0 : i32
    %c0_i32_6 = arith.constant 0 : i32
    return %arg0, %c0_i32, %max3A_3, %c0_i32_4, %c0_i32_5 : i32, i32, i32, i32, i32
  }
  func.func @transform_32(%arg0: i32, %arg1: i32) -> (i32, i32, i32, i32, i32) {
    %mul3A = arith.constant 32 : i32
    %mul3A_0 = arith.muli %mul3A, %arg1 : i32
    %add3A = arith.constant 32 : i32
    %add3A_1 = arith.addi %mul3A_0, %add3A : i32
    %sub3A = arith.constant 1 : i32
    %sub3A_2 = arith.subi %add3A_1, %sub3A : i32
    %max3A = arith.constant 0 : i32
    %max3A_3 = arith.maxsi %sub3A_2, %max3A : i32
    %c0_i32 = arith.constant 0 : i32
    %c0_i32_4 = arith.constant 0 : i32
    %c0_i32_5 = arith.constant 0 : i32
    %c0_i32_6 = arith.constant 0 : i32
    return %arg0, %c0_i32, %max3A_3, %c0_i32_4, %c0_i32_5 : i32, i32, i32, i32, i32
  }
  func.func @transform_33(%arg0: i32, %arg1: i32) -> (i32, i32) {
    %c0_i32 = arith.constant 0 : i32
    %c0_i32_0 = arith.constant 0 : i32
    %c0_i32_1 = arith.constant 0 : i32
    return %c0_i32, %c0_i32_0 : i32, i32
  }
  func.func @transform_34(%arg0: i32, %arg1: i32) -> (i32, i32, i32) {
    %c0_i32 = arith.constant 0 : i32
    %c0_i32_0 = arith.constant 0 : i32
    %c0_i32_1 = arith.constant 0 : i32
    %c0_i32_2 = arith.constant 0 : i32
    return %c0_i32, %c0_i32_0, %c0_i32_1 : i32, i32, i32
  }
  func.func @transform_35(%arg0: i32, %arg1: i32) -> (i32, i32) {
    %c0_i32 = arith.constant 0 : i32
    %c0_i32_0 = arith.constant 0 : i32
    %c0_i32_1 = arith.constant 0 : i32
    return %c0_i32, %c0_i32_0 : i32, i32
  }
  func.func @transform_36(%arg0: i32, %arg1: i32) -> (i32, i32, i32, i32, i32) {
    %c0_i32 = arith.constant 0 : i32
    %c0_i32_0 = arith.constant 0 : i32
    %c0_i32_1 = arith.constant 0 : i32
    %c0_i32_2 = arith.constant 0 : i32
    return %arg0, %c0_i32, %arg1, %c0_i32_0, %c0_i32_1 : i32, i32, i32, i32, i32
  }
}

</mosaic_0001>

<sc_bundles>
// kernel: kernel.4.cloned.1.call-start
scs
__scs_entry_jumppad:
0x0: {  	(pc) =	sbr.rel $0x88, $3  }
0x1: {  	(tag) =	ssettag $0x0;
	lr =	simm.s32 $0x1  }
0x2: {  	[smem:$0x3F9C] =	sst lr;
	_ =	strace $0xD0000000  }
0x3: {  	_ = 	snop  }
0x4: {  	_ = 	snop  }
0x5: {  	_ = 	snop  }
0x6: {  	_ = 	snop  }
0x7: {  	_ = 	snop  }
__scs_overlays_trampoline_lowered:
0x8: {  	[smem:$0x3FAB] =	sst s0  }
0x9: {  	[smem:$0x3FAC] =	sst s1  }
0xa: {  	[smem:$0x3FAD] =	sst s2  }
0xb: {  	[smem:$0x3FAE] =	sst s3  }
0xc: {  	[smem:$0x3FAF] =	sst s4  }
0xd: {  	[smem:$0x3FB0] =	sst s5  }
0xe: {  	[smem:$0x3FB1] =	sst s6  }
0xf: {  	[smem:$0x3FB2] =	sst s7  }
0x10: {  	[smem:$0x3FB3] =	sst s8  }
0x11: {  	[smem:$0x3FB4] =	sst s9;
	s0 =	simm.s32 @!p0 $0x0  }
0x12: {  	s1 =	sld [smem:$0x3F9A];
	s0 =	simm.s32 @p0 $0x1  }
0x13: {  	[smem:$0x3FB5] =	sst s0;
	s0 =	simm.s32 @!p1 $0x0  }
0x14: {  	s2 =	sld [smem:$0x3F99];
	s0 =	simm.s32 @p1 $0x1  }
0x15: {  	[smem:$0x3FB6] =	sst s0;
	s0 =	simm.s32 @!p2 $0x0  }
0x16: {  	s3 =	sld [smem:$0x3FDB];
	s0 =	simm.s32 @p2 $0x1  }
0x17: {  	s4 =	simm.s32 $0x1BF5;
	[smem:$0x3FB8] =	sst s0  }
0x18: {  	s0 =	sld [smem:$0x3F9B];
	_ =	swait.ge [sflag:s4], $0x0  }
0x19: {  	s7 =	sld [smem:$0x3F9C]  }
0x1a: {  	s8 =	sadd.s32 $0xFFFFE003, lr  }
0x1b: {  	s9 =	sadd.s32 $0xFFFFFEF7, lr;
	s5 =	simm.s32 $0xFFFFFFFF;
	p2 =	slt.u32 s8, $0xFFFFF086  }
0x1c: {  	p1 =	slt.u32 s9, $0xF7A;
	s5 =	simm.s32 @!p2 $0x0  }
0x1d: {  	s5 =	simm.s32 @p1 $0x1;
	p0 =	seq.s32 s7, s2  }
0x1e: {  	s7 =	smul.u32 @!p0 $0xF7A, s2;
	p2 =	seq.s32 @!p0 s5, $0x0  }
0x1f: {  	s9 =	smul.u32 $0xF7A, s1;
	s8 =	simm.s32 @!p0 $0x1BF5;
	p2 =	por !p2, p0  }
0x20: {  	[sflag:s8] =	ssyncset.s32 @!p0 $0xFFFFF086;
	s6 =	sadd.s32 @!p0 s3, s7;
	s7 =	simm.s32 @!p0 $0x108  }
0x21: {  	s3 =	sadd.s32 s3, s9;
	s6 =	sadd.s32 @!p0 $0x88, s6;
	s7 =	simm.s32 @p2 $0x1082  }
0x22: {  	[simem:s7], [sflag:s8] =	dma.local @!p0 [hbm:s6], $0xF7A  }
0x23: {  	s9 =	sor.u32 $0xD0000000, s2;
	s6 =	simm.s32 $0x108;
	_ =	swait.ge @!p0 [sflag:s8], $0x0  }
0x24: {  	s3 =	sadd.s32 $0x88, s3;
	s6 =	simm.s32 @!p1 $0x1082;
	[sflag:s4] =	ssyncset.s32 $0xFFFFF086  }
0x25: {  	[simem:s6], [sflag:s4] =	dma.local [hbm:s3], $0xF7A  }
0x26: {  	[smem:$0x3F9C] =	sst s1;
	(tag) =	ssettag s2;
	_ =	strace s9  }
0x27: {  	s1 =	sld [smem:$0x3FAC]  }
0x28: {  	s2 =	sld [smem:$0x3FAD]  }
0x29: {  	s4 =	sld [smem:$0x3FAF]  }
0x2a: {  	p0 =	seq.s32 s5, $0x0;
	s5 =	sld [smem:$0x3FB0]  }
0x2b: {  	s6 =	sld [smem:$0x3FB1]  }
0x2c: {  	s7 =	sld [smem:$0x3FB2]  }
0x2d: {  	s3 =	simm.s32 $0x108;
	s8 =	sld [smem:$0x3FB3]  }
0x2e: {  	s3 =	simm.s32 @!p0 $0x1082;
	s9 =	sld [smem:$0x3FB4]  }
0x2f: {  	lr =	sadd.s32 s0, s3;
	s0 =	sld [smem:$0x3FAB]  }
0x30: {  	s3 =	sld [smem:$0x3FAE]  }
0x31: {  	[smem:$0x3FB7] =	sst s10  }
0x32: {  	s10 =	sld [smem:$0x3FB5];
	_ =	sdelay $0x3  }
0x33: {  	p0 =	seq.s32 s10, $0x1;
	s10 =	sld [smem:$0x3FB7];
	_ =	sdelay $0x3  }
0x34: {  	[smem:$0x3FB7] =	sst s10  }
0x35: {  	s10 =	sld [smem:$0x3FB6];
	_ =	sdelay $0x3  }
0x36: {  	p1 =	seq.s32 s10, $0x1;
	s10 =	sld [smem:$0x3FB7];
	_ =	sdelay $0x3  }
0x37: {  	[smem:$0x3FB7] =	sst s10  }
0x38: {  	s10 =	sld [smem:$0x3FB8]  }
0x39: {  	_ = 	snop;
	(pc) =	sbr.ind lr, $3  }
0x3a: {  	_ = 	snop  }
0x3b: {  	_ = 	snop  }
0x3c: {  	p2 =	seq.s32 s10, $0x1;
	s10 =	sld [smem:$0x3FB7]  }
0x3d: {  	_ =	shalt  }
0x3e: {  	_ =	shalt  }
0x3f: {  	_ =	shalt  }
0x40: {  	_ =	shalt  }
0x41: {  	_ =	shalt  }
0x42: {  	_ =	shalt  }
0x43: {  	_ =	shalt  }
0x44: {  	_ =	shalt  }
0x45: {  	_ =	shalt  }
0x46: {  	_ =	shalt  }
0x47: {  	_ =	shalt  }
0x48: {  	_ =	shalt  }
0x49: {  	_ =	shalt  }
0x4a: {  	_ =	shalt  }
0x4b: {  	_ =	shalt  }
0x4c: {  	_ =	shalt  }
0x4d: {  	_ =	shalt  }
0x4e: {  	_ =	shalt  }
0x4f: {  	_ =	shalt  }
0x50: {  	_ =	shalt  }
0x51: {  	_ =	shalt  }
0x52: {  	_ =	shalt  }
0x53: {  	_ =	shalt  }
0x54: {  	_ =	shalt  }
0x55: {  	_ =	shalt  }
0x56: {  	_ =	shalt  }
0x57: {  	_ =	shalt  }
0x58: {  	_ =	shalt  }
0x59: {  	_ =	shalt  }
0x5a: {  	_ =	shalt  }
0x5b: {  	_ =	shalt  }
0x5c: {  	_ =	shalt  }
0x5d: {  	_ =	shalt  }
0x5e: {  	_ =	shalt  }
0x5f: {  	_ =	shalt  }
0x60: {  	_ =	shalt  }
0x61: {  	_ =	shalt  }
0x62: {  	_ =	shalt  }
0x63: {  	_ =	shalt  }
0x64: {  	_ =	shalt  }
0x65: {  	_ =	shalt  }
0x66: {  	_ =	shalt  }
0x67: {  	_ =	shalt  }
0x68: {  	_ =	shalt  }
0x69: {  	_ =	shalt  }
0x6a: {  	_ =	shalt  }
0x6b: {  	_ =	shalt  }
0x6c: {  	_ =	shalt  }
0x6d: {  	_ =	shalt  }
0x6e: {  	_ =	shalt  }
0x6f: {  	_ =	shalt  }
0x70: {  	_ =	shalt  }
0x71: {  	_ =	shalt  }
0x72: {  	_ =	shalt  }
0x73: {  	_ =	shalt  }
0x74: {  	_ =	shalt  }
0x75: {  	_ =	shalt  }
0x76: {  	_ =	shalt  }
0x77: {  	_ =	shalt  }
0x78: {  	_ =	shalt  }
0x79: {  	_ =	shalt  }
0x7a: {  	_ =	shalt  }
0x7b: {  	_ =	shalt  }
0x7c: {  	_ =	shalt  }
0x7d: {  	_ =	shalt  }
0x7e: {  	_ =	shalt  }
0x7f: {  	_ =	shalt  }
0x80: {  	_ =	shalt  }
0x81: {  	_ =	shalt  }
0x82: {  	_ =	shalt  }
0x83: {  	_ =	shalt  }
0x84: {  	_ =	shalt  }
0x85: {  	_ =	shalt  }
0x86: {  	_ =	shalt  }
0x87: {  	_ =	shalt  }
.Lfunc_end0:
.L_simem_size_0:
called_computation_lowered:
.L_overlay_start_0:
0x88: {  	s2 =	sld [smem:$0x3FD9]  }
0x89: {  	s3 =	sld [smem:$0x3FFE];
	_ =	sdelay $0x1  }
0x8a: {  	s1 =	srdreg.scid  }
0x8b: {  	s0 =	sand.u32 $0x1, s1  }
0x8c: {  	s17 =	sshll.u32 s0, $0xA;
	s2 =	sadd.s32 s3, s2  }
0x8d: {  	s2 =	sadd.s32 s2, s17  }
0x8e: {  	[smem:$0x3FC3] =	sst s2  }
0x8f: {  	_ = 	snop  }
0x90: {  	s2 =	sld [smem:$0x3FC8]  }
0x91: {  	s18 =	sld [smem:$0x3FC7]  }
0x92: {  	s4 =	sld [smem:$0x3FC6]  }
0x93: {  	s5 =	sld [smem:$0x3FD0];
	(tm) =	ssettm $0x1  }
0x94: {  	s6 =	sld [smem:$0x3FFB];
	_ =	sdelay $0x3  }
0x95: {  	_ =	strace s6  }
0x96: {  	s6 =	sld [smem:$0x3FFC];
	_ =	sdelay $0x3  }
0x97: {  	_ =	strace s6  }
0x98: {  	s6 =	sld [smem:$0x3FFD];
	_ =	sdelay $0x3  }
0x99: {  	_ =	strace s6  }
0x9a: {  	_ =	strace $0x8FFFFFFF  }
0x9b: {  	s19 =	sld [smem:$0x3FDB];
	_ =	sdelay $0x1  }
0x9c: {  	s7 =	simm.s32 $_scs_section_size  }
0x9d: {  	s8 =	simm.s32 $_size__tile_overlayer_lowered;
	s9 =	simm.s32 $_tile_overlayer_lowered  }
0x9e: {  	s22 =	simm.s32 $0x1BFF;
	s21 =	sshll.u32 s9, $0x1;
	s6 =	sadd.s32 s7, s19  }
0x9f: {  	s10 =	simm.s32 $0x0;
	s20 =	sshll.u32 s8, $0x1;
	s8 =	sadd.s32 s21, s6  }
0xa0: {  	[timem:s10], [sflag:s22] =	dma.local [hbm:s8], s20  }
0xa1: {  	_ =	swait.ge [sflag:s22], s20  }
0xa2: {  	s7 =	ssub.s32 $0x0, s20;
	[sflag:s22] =	ssyncset.done $0x0  }
0xa3: {  	[sflag:s22] =	ssyncadd.s32 s7;
	_ =	sdelay $0x1  }
0xa4: {  	s23 =	simm.s32 $0x1B8B  }
0xa5: {  	_ =	swait.ge [sflag:s23], $0x1  }
0xa6: {  	[sflag:s23] =	ssyncset.done $0x0  }
0xa7: {  	s25 =	simm.s32 $0x1B8E;
	s24 =	sld [smem:$0x3FFE];
	[sflag:s23] =	ssyncadd.s32 $0xFFFFFFFF  }
0xa8: {  	s26 =	simm.s32 $execute0_lowered;
	[smem:$0x3FD2] =	sst s25  }
0xa9: {  	s8 =	sshll.u32 s26, $0x1;
	_ =	strace $0x80000046;
	[dreg:$0x1] =	wrdreg $0xFFFFFFFF  }
0xaa: {  	s28 =	simm.s32 $_size_execute0_lowered;
	s6 =	sadd.s32 s6, s8;
	[dreg:$0x0] =	wrdreg $0x0  }
0xab: {  	s8 =	sshll.u32 s28, $0x1;
	[dreg:$0x2] =	wrdreg s6  }
0xac: {  	[dreg:$0x3] =	wrdreg s8  }
0xad: {  	[dreg:$0x4] =	wrdreg $0xC0  }
0xae: {  	_ =	task [dreg:s10], $0x5FFFF  }
0xaf: {  	[dreg:$0x1] =	wrdreg $0xFFFFFFFF  }
0xb0: {  	[dreg:$0x0] =	wrdreg $0x60  }
0xb1: {  	[dreg:$0x2] =	wrdreg s2  }
0xb2: {  	[dreg:$0x3] =	wrdreg s18  }
0xb3: {  	[dreg:$0x4] =	wrdreg s4  }
0xb4: {  	[dreg:$0x5] =	wrdreg s5  }
0xb5: {  	[dreg:$0x6] =	wrdreg s24  }
0xb6: {  	[dreg:$0x7] =	wrdreg $0x9  }
0xb7: {  	_ =	task.clear_ibuf [dreg:s10], $0x8FFFF;
	_ =	strace $0x90000046  }
0xb8: {  	s29 =	simm.s32 $0x9;
	_ =	strace $0x80000048  }
0xb9: {  	_ =	swait.ge [sflag:s29], $0x1  }
0xba: {  	[sflag:s29] =	ssyncadd.s32 $0xFFFFFFFF  }
0xbb: {  	_ =	strace $0x90000048  }
0xbc: {  	_ =	sfence  }
0xbd: {  	s30 =	sld [smem:$0x0];
	_ =	sdelay $0x2  }
0xbe: {  	s31 =	sshll.u32 s1, $0xD;
	s1 =	sshrl.u32 s1, $0x2  }
0xbf: {  	s3 =	sand.u32 $0x4000, s31;
	s1 =	sadd.s32 s1, s30  }
0xc0: {  	s0 =	sor.u32 s3, s0;
	s1 =	sshll.u32 s1, $0x11  }
0xc1: {  	s0 =	sor.u32 s1, s0  }
0xc2: {  	s0 =	sadd.s32 $0x8F2B, s0  }
0xc3: {  	[sflag:s0] =	ssyncadd.remote.s32 $0x1  }
0xc4: {  	_ =	sfence.sel $0xFFFF  }
0xc5: {  	[dreg:$0x0] =	wrdreg $0xFFFFFFFF;
	(pc) =	sbr.abs _section_cstart, $3  }
0xc6: {  	[dreg:$0x1] =	wrdreg $0xFFFFFFFF  }
0xc7: {  	_ =	task.clear_ibuf [dreg:s10], $0x2FFFF;
	_ =	strace $0x9FFFFFFF  }
0xc8: {  	(tm) =	ssettm $0x7FFFFFFF  }
0xc9: {  	_ =	shalt  }
tec
execute0_lowered:
.L_overlay_start_1:
0x0: {  	(tag) =	ssettag $0x1  }
0x1: {  	s2 =	srdreg.scid  }
0x2: {  	s7 =	sand.u32 $0x1, s2;
	s2 =	stileid.u32  }
0x3: {  	s8 =	sshll.u32 s7, $0x4;
	s9 =	ssub.s32 $0x0, s2  }
0x4: {  	s0 =	rddreg [dreg:$0x0];
	p0 =	sne.s32 s8, s9  }
.Ltmp0:
0x5: {  	s1 =	rddreg [dreg:$0x1];
	(pc) =	sbr.rel @p0 .LBB2_5-.Ltmp0, $4  }
0x6: {  	s3 =	rddreg [dreg:$0x2]  }
0x7: {  	s5 =	rddreg [dreg:$0x3]  }
0x8: {  	s6 =	rddreg [dreg:$0x4]  }
0x9: {  	s4 =	rddreg [dreg:$0x5];
	_ =	strace $0x80000047  }
0xa: {  	s7 =	ssub.s32 $0x2, s7;
	s6 =	sadd.s32 $0x600, s6  }
0xb: {  	s9 =	simm.s32 $0x1;
	s10 =	simm.s32 $0x2080;
	s8 =	sshrl.u32 s7, $0x1  }
0xc: {  	s11 =	simm.s32 $0x4100;
	s12 =	simm.s32 $0x6180;
	s7 =	ssub.s32 s7, s8  }
0xd: {  	s13 =	simm.s32 $0x0;
	s8 =	simm.s32 $0x0;
	s7 =	smax.u32 s7, $0x1  }
.LBB2_2:
0xe: {  	[tilespmem:s8], [sflag:$0x1] =	stream.linear.gather [hbm4b:s0+s8], $0x2066, $0x38;
	[tilespmem:$0x1A580] =	vst v63  }
0xf: {  	_ =	swait.ge [sflag:s9], $0x2066  }
0x10: {  	[sflag:s9] =	ssyncset.done $0x0  }
0x11: {  	[sflag:s9] =	ssyncadd.s32 $0xFFFFDF9A  }
0x12: {  	[tilespmem:s10], [sflag:$0x1] =	stream.linear.gather [hbm4b:s1+s8], $0x2066, $0x38;
	[tilespmem:$0x1A580] =	vst v63  }
0x13: {  	_ =	swait.ge [sflag:s9], $0x2066  }
0x14: {  	[sflag:s9] =	ssyncset.done $0x0  }
0x15: {  	[sflag:s9] =	ssyncadd.s32 $0xFFFFDF9A  }
0x16: {  	[tilespmem:s11], [sflag:$0x1] =	stream.linear.gather [hbm4b:s3+s8], $0x2066, $0x38;
	[tilespmem:$0x1A580] =	vst v63  }
0x17: {  	_ =	swait.ge [sflag:s9], $0x2066  }
0x18: {  	[sflag:s9] =	ssyncset.done $0x0  }
0x19: {  	[sflag:s9] =	ssyncadd.s32 $0xFFFFDF9A  }
0x1a: {  	[tilespmem:s12], [sflag:$0x1] =	stream.linear.gather [hbm4b:s5+s8], $0x14400, $0x38;
	[tilespmem:$0x1A580] =	vst v63  }
0x1b: {  	_ =	swait.ge [sflag:s9], $0x14400  }
0x1c: {  	[sflag:s9] =	ssyncset.done $0x0  }
0x1d: {  	s14 =	simm.s32 $0x0;
	[sflag:s9] =	ssyncadd.s32 $0xFFFEBC00  }
.LBB2_3:
0x1e: {  	s15 =	sshra.s32 s14, $0x2  }
0x1f: {  	v0 =	vld [tilespmem:s15+$0x2080];
	_ =	sdelay $0x4  }
0x20: {  	v1 =	vmul.u32 $0x1C72, v0;
	_ =	sdelay $0x1  }
0x21: {  	v1 =	vshra.s32 v1, $0x10  }
0x22: {  	v2 =	vmul.u32 $0xFFFFFFF7, v1;
	_ =	sdelay $0x1  }
0x23: {  	v0 =	vadd.s32 v0, v2  }
0x24: {  	v2 =	vmul.u32 $0xB, v0;
	_ =	sdelay $0x1  }
0x25: {  	v2 =	vshra.s32 v2, $0x5  }
0x26: {  	v3 =	vld [tilespmem:s15+$0x0];
	v4 =	vmul.u32 $0xFFFFFFFD, v2;
	_ =	sdelay $0x1  }
0x27: {  	v0 =	vadd.s32 v0, v4  }
0x28: {  	v0 =	vmul.u32 $0x60, v0;
	_ =	sdelay $0x1  }
0x29: {  	v2 =	vmul.u32 $0x60, v2;
	v0 =	vadd.s32 v3, v0  }
0x2a: {  	v0 =	vmul.u32 $0x120, v0  }
0x2b: {  	v1 =	vadd.s32 v1, v2  }
0x2c: {  	v48 =	vld [tilespmem:s15+$0x4100];
	v0 =	vadd.s32 v0, v1;
	_ =	sdelay $0x4  }
0x2d: {  	[tilespmem:v0+s12+$0x0] =	vst.idx.msk $0xffff, v48  }
0x2e: {  	v0 =	vld [tilespmem:s15+$0x2090];
	_ =	sdelay $0x4  }
0x2f: {  	v49 =	vmul.u32 $0x1C72, v0;
	_ =	sdelay $0x1  }
0x30: {  	v1 =	vshra.s32 v49, $0x10  }
0x31: {  	v50 =	vmul.u32 $0xFFFFFFF7, v1;
	_ =	sdelay $0x1  }
0x32: {  	v0 =	vadd.s32 v0, v50  }
0x33: {  	v2 =	vmul.u32 $0xB, v0;
	_ =	sdelay $0x1  }
0x34: {  	v2 =	vshra.s32 v2, $0x5  }
0x35: {  	v51 =	vld [tilespmem:s15+$0x10];
	v52 =	vmul.u32 $0xFFFFFFFD, v2;
	_ =	sdelay $0x1  }
0x36: {  	v0 =	vadd.s32 v0, v52  }
0x37: {  	v0 =	vmul.u32 $0x60, v0;
	_ =	sdelay $0x1  }
0x38: {  	v2 =	vmul.u32 $0x60, v2;
	v0 =	vadd.s32 v51, v0  }
0x39: {  	v0 =	vmul.u32 $0x120, v0  }
0x3a: {  	v1 =	vadd.s32 v1, v2  }
0x3b: {  	v53 =	vld [tilespmem:s15+$0x4110];
	v0 =	vadd.s32 v0, v1;
	_ =	sdelay $0x4  }
0x3c: {  	[tilespmem:v0+s12+$0x0] =	vst.idx.msk $0xffff, v53  }
0x3d: {  	v0 =	vld [tilespmem:s15+$0x20A0];
	_ =	sdelay $0x4  }
0x3e: {  	v54 =	vmul.u32 $0x1C72, v0;
	_ =	sdelay $0x1  }
0x3f: {  	v1 =	vshra.s32 v54, $0x10  }
0x40: {  	v55 =	vmul.u32 $0xFFFFFFF7, v1;
	_ =	sdelay $0x1  }
0x41: {  	v0 =	vadd.s32 v0, v55  }
0x42: {  	v2 =	vmul.u32 $0xB, v0;
	_ =	sdelay $0x1  }
0x43: {  	v2 =	vshra.s32 v2, $0x5  }
0x44: {  	v56 =	vld [tilespmem:s15+$0x20];
	v57 =	vmul.u32 $0xFFFFFFFD, v2;
	_ =	sdelay $0x1  }
0x45: {  	v0 =	vadd.s32 v0, v57  }
0x46: {  	v0 =	vmul.u32 $0x60, v0;
	_ =	sdelay $0x1  }
0x47: {  	v2 =	vmul.u32 $0x60, v2;
	v0 =	vadd.s32 v56, v0  }
0x48: {  	v0 =	vmul.u32 $0x120, v0  }
0x49: {  	v1 =	vadd.s32 v1, v2  }
0x4a: {  	v58 =	vld [tilespmem:s15+$0x4120];
	v0 =	vadd.s32 v0, v1;
	_ =	sdelay $0x4  }
0x4b: {  	[tilespmem:v0+s12+$0x0] =	vst.idx.msk $0xffff, v58  }
0x4c: {  	v0 =	vld [tilespmem:s15+$0x20B0];
	_ =	sdelay $0x4  }
0x4d: {  	v59 =	vmul.u32 $0x1C72, v0;
	_ =	sdelay $0x1  }
0x4e: {  	v1 =	vshra.s32 v59, $0x10  }
0x4f: {  	v60 =	vmul.u32 $0xFFFFFFF7, v1;
	_ =	sdelay $0x1  }
0x50: {  	v0 =	vadd.s32 v0, v60  }
0x51: {  	v2 =	vmul.u32 $0xB, v0;
	_ =	sdelay $0x1  }
0x52: {  	v2 =	vshra.s32 v2, $0x5  }
0x53: {  	v61 =	vld [tilespmem:s15+$0x30];
	v62 =	vmul.u32 $0xFFFFFFFD, v2;
	_ =	sdelay $0x1  }
0x54: {  	v0 =	vadd.s32 v0, v62  }
0x55: {  	v0 =	vmul.u32 $0x60, v0;
	_ =	sdelay $0x1  }
0x56: {  	v2 =	vmul.u32 $0x60, v2;
	v0 =	vadd.s32 v61, v0  }
0x57: {  	v0 =	vmul.u32 $0x120, v0  }
0x58: {  	v1 =	vadd.s32 v1, v2  }
0x59: {  	p0 =	sne.s32 s14, $0x8000;
	v63 =	vld [tilespmem:s15+$0x4130];
	v0 =	vadd.s32 v0, v1  }
.Ltmp1:
0x5a: {  	_ = 	snop;
	(pc) =	sbr.rel @p0 .LBB2_3-.Ltmp1, $2  }
0x5b: {  	_ =	sdelay $0x2  }
0x5c: {  	s14 =	sadd.s32 $0x100, s14;
	[tilespmem:v0+s12+$0x0] =	vst.idx.msk $0xffff, v63  }
0x5d: {  	v0 =	vld [tilespmem:$0x40C0];
	_ =	sdelay $0x4  }
0x5e: {  	v1 =	vmul.u32 $0x1C72, v0;
	_ =	sdelay $0x1  }
0x5f: {  	v1 =	vshra.s32 v1, $0x10  }
0x60: {  	v2 =	vmul.u32 $0xFFFFFFF7, v1;
	_ =	sdelay $0x1  }
0x61: {  	v0 =	vadd.s32 v0, v2  }
0x62: {  	v2 =	vmul.u32 $0xB, v0;
	_ =	sdelay $0x1  }
0x63: {  	v2 =	vshra.s32 v2, $0x5  }
0x64: {  	v3 =	vld [tilespmem:$0x2040];
	v4 =	vmul.u32 $0xFFFFFFFD, v2;
	_ =	sdelay $0x1  }
0x65: {  	v0 =	vadd.s32 v0, v4  }
0x66: {  	v0 =	vmul.u32 $0x60, v0;
	_ =	sdelay $0x1  }
0x67: {  	v2 =	vmul.u32 $0x60, v2;
	v0 =	vadd.s32 v3, v0  }
0x68: {  	v0 =	vmul.u32 $0x120, v0  }
0x69: {  	v1 =	vadd.s32 v1, v2  }
0x6a: {  	v53 =	vld [tilespmem:$0x6140];
	v0 =	vadd.s32 v0, v1;
	_ =	sdelay $0x4  }
0x6b: {  	[tilespmem:v0+s12+$0x0] =	vst.idx.msk $0xffff, v53  }
0x6c: {  	v0 =	vld [tilespmem:$0x40D0];
	_ =	sdelay $0x4  }
0x6d: {  	v54 =	vmul.u32 $0x1C72, v0;
	_ =	sdelay $0x1  }
0x6e: {  	v1 =	vshra.s32 v54, $0x10  }
0x6f: {  	v55 =	vmul.u32 $0xFFFFFFF7, v1;
	_ =	sdelay $0x1  }
0x70: {  	v0 =	vadd.s32 v0, v55  }
0x71: {  	v2 =	vmul.u32 $0xB, v0;
	_ =	sdelay $0x1  }
0x72: {  	v2 =	vshra.s32 v2, $0x5  }
0x73: {  	v56 =	vld [tilespmem:$0x2050];
	v57 =	vmul.u32 $0xFFFFFFFD, v2;
	_ =	sdelay $0x1  }
0x74: {  	v0 =	vadd.s32 v0, v57  }
0x75: {  	v0 =	vmul.u32 $0x60, v0;
	_ =	sdelay $0x1  }
0x76: {  	v2 =	vmul.u32 $0x60, v2;
	v0 =	vadd.s32 v56, v0  }
0x77: {  	v0 =	vmul.u32 $0x120, v0  }
0x78: {  	v1 =	vadd.s32 v1, v2  }
0x79: {  	v58 =	vld [tilespmem:$0x6150];
	v0 =	vadd.s32 v0, v1;
	_ =	sdelay $0x4  }
0x7a: {  	[tilespmem:v0+s12+$0x0] =	vst.idx.msk $0xffff, v58  }
0x7b: {  	v0 =	vld [tilespmem:$0x40E0];
	_ =	sdelay $0x4  }
0x7c: {  	v59 =	vmul.u32 $0x1C72, v0;
	_ =	sdelay $0x1  }
0x7d: {  	v1 =	vshra.s32 v59, $0x10  }
0x7e: {  	v60 =	vmul.u32 $0xFFFFFFF7, v1;
	_ =	sdelay $0x1  }
0x7f: {  	v0 =	vadd.s32 v0, v60  }
0x80: {  	v2 =	vmul.u32 $0xB, v0;
	_ =	sdelay $0x1  }
0x81: {  	v2 =	vshra.s32 v2, $0x5  }
0x82: {  	v61 =	vld [tilespmem:$0x2060];
	v62 =	vmul.u32 $0xFFFFFFFD, v2;
	_ =	sdelay $0x1  }
0x83: {  	v0 =	vadd.s32 v0, v62  }
0x84: {  	v0 =	vmul.u32 $0x60, v0;
	_ =	sdelay $0x1  }
0x85: {  	v2 =	vmul.u32 $0x60, v2;
	v0 =	vadd.s32 v61, v0  }
0x86: {  	v0 =	vmul.u32 $0x120, v0  }
0x87: {  	v1 =	vadd.s32 v1, v2  }
0x88: {  	v63 =	vld [tilespmem:$0x6160];
	v0 =	vadd.s32 v0, v1;
	_ =	sdelay $0x2  }
0x89: {  	s13 =	sadd.s32 $0x1, s13  }
0x8a: {  	p0 =	sne.s32 s13, s7  }
.Ltmp2:
0x8b: {  	[tilespmem:v0+s12+$0x0] =	vst.idx.msk $0x3f, v63;
	(pc) =	sbr.rel @p0 .LBB2_2-.Ltmp2, $4  }
0x8c: {  	[hbm4b:s6+s8] =	stream.linear.scatter [tilespmem:s12], [sflag:$0x1], $0x14400, $0x38;
	[tilespmem:$0x1A580] =	vst v63  }
0x8d: {  	_ =	swait.ge [sflag:s9], $0x14400  }
0x8e: {  	[sflag:s9] =	ssyncset.done $0x0  }
0x8f: {  	[sflag:s9] =	ssyncadd.s32 $0xFFFEBC00  }
.LBB2_5:
0x90: {  	_ =	sfence.sel $0x180000  }
0x91: {  	[bflag:$0x0] =	sbarrier.arrive $0xFFFF  }
0x92: {  	p0 =	sne.s32 s2, $0x0;
	_ =	strace $0x90000047  }
0x93: {  	s0 =	sadd.s32 @!p0 $0x100000, s4;
	[bflag:$0x2] =	sbarrier.arrive $0xFFFF  }
0x94: {  	[sflag:s0] =	ssyncadd.tile.s32 @!p0 $0x1;
	_ =	shalt  }
.Lfunc_end2:
_tile_overlayer_lowered:
.L_overlay_start_2:
0x95: {  	(tag) =	ssettag $0x2  }
0x96: {  	s0 =	rddreg [dreg:$0x0];
	s2 =	stileid.u32  }
0x97: {  	s1 =	rddreg [dreg:$0x1];
	p0 =	sne.s32 s2, $0x0  }
0x98: {  	s3 =	rddreg [dreg:$0x2];
	[bflag:$0x3] =	sbarrier.arrive $0xFFFF;
	s2 =	simm.s32 @!p0 $0x1C01  }
0x99: {  	[timem:s3], [sflag:s2] =	dma.local @!p0 [hbm:s0], s1  }
0x9a: {  	s0 =	simm.s32 @!p0 $0x1  }
0x9b: {  	_ =	swait.ge @!p0 [sflag:s0], s1  }
0x9c: {  	s1 =	ssub.s32 @!p0 $0x0, s1;
	[sflag:s0] =	ssyncset.done @!p0 $0x0  }
0x9d: {  	[sflag:s0] =	ssyncadd.s32 @!p0 s1  }
0x9e: {  	[bflag:$0x3] =	sbarrier.arrive $0xFFFF  }
0x9f: {  	_ =	shalt  }

</sc_bundles>
